<compile_context>
chip_gen: v7x
topology: tpu7x:2x2x1
jax: 0.10.2.dev20260603
libtpu: 0.0.44.dev20260713+nightly
codegen_flags: <defaults>
</compile_context>

<pallas_src>
import functools

import jax
import jax.numpy as jnp
from jax import lax
from jax.experimental import pallas as pl
from jax.experimental.pallas import tpu as pltpu
from jax.experimental.pallas import tpu_sc as plsc

B, N, D, K = 4, 4096, 29, 32
C_IN = D + 3
C_OUT = 64
R = B * N * K


S1 = 256


_CW = 64
_CH1 = N // _CW
_M1 = 10
_NCAND = _CH1 * _M1


def _knn_body(xyz_ref, p_ref, idx_ref, cv_ref, ci_ref):
    b = pl.program_id(0)
    j = pl.program_id(1)
    pfull = p_ref[0]
    tile = xyz_ref[0, :, pl.ds(j * S1, S1)]
    nall = jnp.sum(pfull * pfull, axis=1, keepdims=True)
    nrow = jnp.sum(tile * tile, axis=0, keepdims=True)
    dot = lax.dot_general(pfull, tile, (((1,), (0,)), ((), ())),
                          preferred_element_type=jnp.float32)
    d2 = jnp.reshape(nall + nrow - 2.0 * dot, (_CH1, _CW, S1))
    gio = (lax.broadcasted_iota(jnp.int32, (_CH1, _CW, S1), 0) * _CW
           + lax.broadcasted_iota(jnp.int32, (_CH1, _CW, S1), 1))
    big_i = jnp.int32(2**30)
    big_f = jnp.float32(jnp.inf)
    for m1 in range(_M1):
        mv = jnp.min(d2, axis=1, keepdims=True)
        sel = jnp.min(jnp.where(d2 == mv, gio, big_i),
                      axis=1, keepdims=True)
        cv_ref[pl.ds(m1 * _CH1, _CH1), :] = mv[:, 0, :]
        ci_ref[pl.ds(m1 * _CH1, _CH1), :] = sel[:, 0, :]
        d2 = jnp.where(gio == sel, big_f, d2)
    cands = cv_ref[...]
    tidx = ci_ref[...]
    row = lax.broadcasted_iota(jnp.int32, (K, S1), 0)
    acc_t = jnp.zeros((K, S1), jnp.int32)
    for k in range(K):
        m = jnp.min(cands, axis=0, keepdims=True)
        sel = jnp.min(jnp.where(cands == m, tidx, big_i),
                      axis=0, keepdims=True)
        acc_t = jnp.where(row == k, sel, acc_t)
        cands = jnp.where(tidx == sel, big_f, cands)
    idx_ref[0] = jnp.transpose(acc_t) + b * N


def _knn(xyz, p):
    return pl.pallas_call(
        _knn_body,
        grid=(B, N // S1),
        in_specs=[
            pl.BlockSpec((1, 3, N), lambda b, j: (b, 0, 0)),
            pl.BlockSpec((1, N, 3), lambda b, j: (b, 0, 0)),
        ],
        out_specs=pl.BlockSpec((1, S1, K), lambda b, j: (b, j, 0)),
        out_shape=jax.ShapeDtypeStruct((B, N, K), jnp.int32),
        scratch_shapes=[
            pltpu.VMEM((_NCAND, S1), jnp.float32),
            pltpu.VMEM((_NCAND, S1), jnp.int32),
        ],
    )(xyz, p)



_NC, _NS = 2, 16
_NW = _NC * _NS
_RW = R // _NW
_CG = 128
_NCHUNK = _RW // _CG


def _gather_sc(table, idx_flat):
    mesh = plsc.VectorSubcoreMesh(core_axis_name="c", subcore_axis_name="s")

    @functools.partial(
        pl.kernel,
        mesh=mesh,
        out_type=jax.ShapeDtypeStruct((R, C_IN), jnp.float32),
        compiler_params=pltpu.CompilerParams(use_tc_tiling_on_sc=False),
        scratch_types=[
            pltpu.VMEM((_RW,), jnp.int32),
            pltpu.VMEM((2, _CG, C_IN), jnp.float32),
            pltpu.SemaphoreType.DMA,
            pltpu.SemaphoreType.DMA,
        ],
    )
    def k(table_hbm, idx_hbm, out_hbm, idx_v, buf_v, sem0, sem1):
        wid = lax.axis_index("s") * _NC + lax.axis_index("c")
        base = wid * _RW
        pltpu.sync_copy(idx_hbm.at[pl.ds(base, _RW)], idx_v)

        def gather(i, phase, sem):
            return pltpu.async_copy(
                table_hbm.at[idx_v.at[pl.ds(i * _CG, _CG)]],
                buf_v.at[phase], sem)

        gather(0, 0, sem0)

        def body(h, carry):
            i0 = 2 * h
            gather(i0 + 1, 1, sem1)
            pltpu.make_async_copy(
                table_hbm.at[idx_v.at[pl.ds(i0 * _CG, _CG)]],
                buf_v.at[0], sem0).wait()
            pltpu.sync_copy(buf_v.at[0],
                            out_hbm.at[pl.ds(base + i0 * _CG, _CG)])

            @pl.when(i0 + 2 < _NCHUNK)
            def _():
                gather(i0 + 2, 0, sem0)

            pltpu.make_async_copy(
                table_hbm.at[idx_v.at[pl.ds((i0 + 1) * _CG, _CG)]],
                buf_v.at[1], sem1).wait()
            pltpu.sync_copy(buf_v.at[1],
                            out_hbm.at[pl.ds(base + (i0 + 1) * _CG, _CG)])
            return carry

        lax.fori_loop(0, _NCHUNK // 2, body, 0)

    return k(table, idx_flat)



S3 = 512
T3 = S3 * K
_TPB = N // S3


def _mlp_body(g_ref, p_ref, w1_ref, b1_ref, w2_ref, b2_ref, w3_ref, b3_ref,
              out_ref):
    x = g_ref[...]
    a = p_ref[0]
    w1x = w1_ref[:, D:C_IN]
    corr = lax.dot_general(a, w1x, (((1,), (1,)), ((), ())),
                           preferred_element_type=jnp.float32)
    corr = jnp.reshape(
        jnp.broadcast_to(corr[:, None, :], (S3, K, C_IN)), (T3, C_IN))
    h = lax.dot_general(x, w1_ref[...], (((1,), (1,)), ((), ())),
                        preferred_element_type=jnp.float32)
    h = jnp.maximum(h - corr + b1_ref[...], 0.0)
    h = lax.dot_general(h, w2_ref[...], (((1,), (1,)), ((), ())),
                        preferred_element_type=jnp.float32)
    h = jnp.maximum(h + b2_ref[...], 0.0)
    y = lax.dot_general(w3_ref[...], h, (((1,), (1,)), ((), ())),
                        preferred_element_type=jnp.float32)
    out_ref[0] = y + b3_ref[...]


def _mlp(g, p, W1, b1, W2, b2, W3, b3):
    full = lambda shape: pl.BlockSpec(shape, lambda t: tuple(0 for _ in shape))
    out = pl.pallas_call(
        _mlp_body,
        grid=(B * N // S3,),
        in_specs=[
            pl.BlockSpec((T3, C_IN), lambda t: (t, 0)),
            pl.BlockSpec((1, S3, 3), lambda t: (t // _TPB, t % _TPB, 0)),
            full((C_IN, C_IN)),
            full((1, C_IN)),
            full((C_IN, C_IN)),
            full((1, C_IN)),
            full((C_OUT, C_IN)),
            full((C_OUT, 1)),
        ],
        out_specs=pl.BlockSpec((1, C_OUT, T3), lambda t: (t // _TPB, 0, t % _TPB)),
        out_shape=jax.ShapeDtypeStruct((B, C_OUT, N * K), jnp.float32),
    )(g, p, W1, b1.reshape(1, C_IN), W2, b2.reshape(1, C_IN), W3,
      b3.reshape(C_OUT, 1))
    return out.reshape(B, C_OUT, N, K)



def kernel(xyz, points, W1, b1, W2, b2, W3, b3):
    p = jnp.moveaxis(xyz, 1, 2)
    table = jnp.concatenate(
        [jnp.moveaxis(points, 1, 2), p], axis=-1).reshape(B * N, C_IN)
    idx = _knn(xyz, p)
    g = _gather_sc(table, idx.reshape(R))
    return _mlp(g, p, W1, b1, W2, b2, W3, b3)

# --- scband reference (transcript-rebuilt; emitter-appended) ---
"""Pipeline reference for scband-point-net-sa-layer-2181843386552 (READ-ONLY COPY).

The authoritative reference and input builder live on the scoring server;
editing this copy changes nothing except your own understanding.
"""

import jax, jax.numpy as jnp
import numpy as np

B, N, D, K = 4, 4096, 29, 32

def setup_inputs(seed: int = 0) -> dict:
    key = jax.random.key(seed)
    ks = jax.random.split(key, 8)
    xyz = jax.random.normal(ks[0], (B, 3, N), dtype=jnp.float32)
    points = jax.random.normal(ks[1], (B, D, N), dtype=jnp.float32)
    W1 = jax.random.normal(ks[2], (32, 32), dtype=jnp.float32) * 0.1
    b1 = jnp.zeros((32,), dtype=jnp.float32)
    W2 = jax.random.normal(ks[3], (32, 32), dtype=jnp.float32) * 0.1
    b2 = jnp.zeros((32,), dtype=jnp.float32)
    W3 = jax.random.normal(ks[4], (64, 32), dtype=jnp.float32) * 0.1
    b3 = jnp.zeros((64,), dtype=jnp.float32)
    return {"xyz": xyz, "points": points, "W1": W1, "b1": b1, "W2": W2, "b2": b2, "W3": W3, "b3": b3}

def _knn_idx(p1, p2, k):
    # p1 [B,S,3], p2 [B,N,3] -> idx [B,S,k] of k nearest neighbors in p2 for each p1
    d2 = jnp.sum(p1 * p1, axis=-1)[:, :, None] + jnp.sum(p2 * p2, axis=-1)[:, None, :] - 2.0 * jnp.einsum('bsc,bnc->bsn', p1, p2)
    _, idx = jax.lax.top_k(-d2, k)
    return idx

def _gather(pts, idx):
    # pts [B,N,C], idx [B,S,K] -> [B,S,K,C]
    return jax.vmap(lambda p, i: p[i])(pts, idx)

def _conv1x1(x, W, b):
    # x [B,Cin,S,K], W [Cout,Cin], b [Cout]
    return jnp.einsum('oi,bisk->bosk', W, x) + b[None, :, None, None]

def reference(xyz, points, W1, b1, W2, b2, W3, b3):
    p = jnp.moveaxis(xyz, -1, -2)            # [B,N,3]
    idx = _knn_idx(p, p, K)                   # [B,N,K] (npoints=None: centroids == all points)
    grouped_xyz = jnp.moveaxis(_gather(p, idx), -1, -3)  # [B,3,N,K]
    grouped_xyz = grouped_xyz - xyz[..., None]
    feat = jnp.moveaxis(_gather(jnp.moveaxis(points, -1, -2), idx), -1, -3)  # [B,D,N,K]
    g = jnp.concatenate([feat, grouped_xyz], axis=1)  # [B,D+3,N,K]
    g = jax.nn.relu(_conv1x1(g, W1, b1))
    g = jax.nn.relu(_conv1x1(g, W2, b2))
    g = _conv1x1(g, W3, b3)
    if g.shape[-1] == 1:
        g = jnp.squeeze(g, -1)
    return g

if __name__ == "__main__":
    import jax
    _d = setup_inputs()
    print(jax.jit(kernel)(*tuple(_d.values())))

</pallas_src>

<mosaic_0001>
#map = affine_map<(d0, d1) -> (0, 0)>
#map1 = affine_map<(d0, d1) -> (0)>
module attributes {stable_mosaic.version = 14 : i64} {
  func.func @k(%arg0: i32, %arg1: i32, %arg2: memref<16384x32xf32, #tpu.memory_space<hbm>>, %arg3: memref<524288xi32, #tpu.memory_space<hbm>>, %arg4: memref<524288x32xf32, #tpu.memory_space<hbm>>, %arg5: memref<16384xi32, #tpu.memory_space<vmem>>, %arg6: memref<2x128x32xf32, #tpu.memory_space<vmem>>, %arg7: memref<!tpu.dma_semaphore, #tpu.memory_space<semaphore_mem>>, %arg8: memref<!tpu.dma_semaphore, #tpu.memory_space<semaphore_mem>>) attributes {dimension_semantics = [#tpu.dimension_semantics<core_parallel>, #tpu.dimension_semantics<subcore_parallel>], iteration_bounds = array<i64: 2, 16>, scalar_prefetch = 0 : i64, scratch_operands = 4 : i64, tpu.core_type = #tpu.core_type<sc_vector_subcore>, window_params = [{transform_indices = #map}, {transform_indices = #map1}, {transform_indices = #map}]} {
    %mul3A = arith.constant 2 : i32
    %mul3A_0 = arith.muli %arg1, %mul3A : i32
    %add3A = arith.addi %mul3A_0, %arg0 : i32
    %mul3A_1 = arith.constant 16384 : i32
    %mul3A_2 = arith.muli %add3A, %mul3A_1 : i32
    "tpu.region"() ({
      %run_scoped3A = tpu.sem_alloc : memref<!tpu.dma_semaphore, #tpu.memory_space<semaphore_mem>>
      %dma_start3A_17 = tpu.memref_slice %arg3[%mul3A_2] : memref<524288xi32, #tpu.memory_space<hbm>> -> memref<16384xi32, #tpu.memory_space<hbm>>
      %dma_start3A_18 = tpu.memref_slice %arg3[%mul3A_2] : memref<524288xi32, #tpu.memory_space<hbm>> -> memref<16384xi32, #tpu.memory_space<hbm>>
      tpu.enqueue_dma source(%dma_start3A_18 : memref<16384xi32, #tpu.memory_space<hbm>>) target(%arg5 : memref<16384xi32, #tpu.memory_space<vmem>>) target_semaphore(%run_scoped3A : memref<!tpu.dma_semaphore, #tpu.memory_space<semaphore_mem>>)
      %dma_wait3A = tpu.memref_slice %arg3[%mul3A_2] : memref<524288xi32, #tpu.memory_space<hbm>> -> memref<16384xi32, #tpu.memory_space<hbm>>
      %dma_wait3A_19 = tpu.memref_slice %arg3[%mul3A_2] : memref<524288xi32, #tpu.memory_space<hbm>> -> memref<16384xi32, #tpu.memory_space<hbm>>
      tpu.wait_dma2 semaphore(%run_scoped3A : memref<!tpu.dma_semaphore, #tpu.memory_space<semaphore_mem>>) src(%dma_wait3A_19 : memref<16384xi32, #tpu.memory_space<hbm>>) dst(%arg5 : memref<16384xi32, #tpu.memory_space<vmem>>)
      tpu.yield
    }) : () -> ()
    %dma_start3A = arith.constant 0 : i32
    %dma_start3A_3 = arith.constant 0 : i32
    %dma_start3A_4 = arith.constant 0 : i32
    %dma_start3A_5 = tpu.memref_slice %arg6[%dma_start3A, %dma_start3A_3, %dma_start3A_4] : memref<2x128x32xf32, #tpu.memory_space<vmem>> -> memref<1x128x32xf32, #tpu.memory_space<vmem>>
    %dma_start3A_6 = tpu.memref_squeeze %dma_start3A_5 : memref<1x128x32xf32, #tpu.memory_space<vmem>> -> memref<128x32xf32, #tpu.memory_space<vmem>>
    %dma_start3A_7 = arith.constant 0 : i32
    %dma_start3A_8 = tpu.memref_slice %arg5[%dma_start3A_7] : memref<16384xi32, #tpu.memory_space<vmem>> -> memref<128xi32, #tpu.memory_space<vmem>>
    %dma_start3A_9 = arith.constant 0 : i32
    %dma_start3A_10 = arith.constant 0 : i32
    %dma_start3A_11 = tpu.memref_slice %arg2[%dma_start3A_9, %dma_start3A_10] : memref<16384x32xf32, #tpu.memory_space<hbm>> -> memref<16384x32xf32, #tpu.memory_space<hbm>>
    tpu.enqueue_indirect_dma source(%dma_start3A_11 : memref<16384x32xf32, #tpu.memory_space<hbm>>) target(%dma_start3A_6 : memref<128x32xf32, #tpu.memory_space<vmem>>) offsets(%dma_start3A_8 : memref<128xi32, #tpu.memory_space<vmem>>) semaphore(%arg7 : memref<!tpu.dma_semaphore, #tpu.memory_space<semaphore_mem>>)
    %scan3A = arith.constant 0 : i32
    %scan3A_12 = arith.constant 0 : i32
    %scan3A_13 = arith.constant 64 : i32
    %scan3A_14 = arith.addi %scan3A_12, %scan3A_13 : i32
    %scan3A_15 = arith.constant 1 : i32
    scf.for %scan3A_17 = %scan3A_12 to %scan3A_14 step %scan3A_15  : i32 {
      %mul3A_18 = arith.constant 2 : i32
      %mul3A_19 = arith.muli %mul3A_18, %scan3A_17 : i32
      %add3A_20 = arith.constant 1 : i32
      %add3A_21 = arith.addi %mul3A_19, %add3A_20 : i32
      %mul3A_22 = arith.constant 128 : i32
      %mul3A_23 = arith.muli %add3A_21, %mul3A_22 : i32
      %dma_start3A_24 = arith.constant 1 : i32
      %dma_start3A_25 = arith.constant 0 : i32
      %dma_start3A_26 = arith.constant 0 : i32
      %dma_start3A_27 = tpu.memref_slice %arg6[%dma_start3A_24, %dma_start3A_25, %dma_start3A_26] : memref<2x128x32xf32, #tpu.memory_space<vmem>> -> memref<1x128x32xf32, #tpu.memory_space<vmem>>
      %dma_start3A_28 = tpu.memref_squeeze %dma_start3A_27 : memref<1x128x32xf32, #tpu.memory_space<vmem>> -> memref<128x32xf32, #tpu.memory_space<vmem>>
      %dma_start3A_29 = tpu.memref_slice %arg5[%mul3A_23] : memref<16384xi32, #tpu.memory_space<vmem>> -> memref<128xi32, #tpu.memory_space<vmem>>
      %dma_start3A_30 = arith.constant 0 : i32
      %dma_start3A_31 = arith.constant 0 : i32
      %dma_start3A_32 = tpu.memref_slice %arg2[%dma_start3A_30, %dma_start3A_31] : memref<16384x32xf32, #tpu.memory_space<hbm>> -> memref<16384x32xf32, #tpu.memory_space<hbm>>
      tpu.enqueue_indirect_dma source(%dma_start3A_32 : memref<16384x32xf32, #tpu.memory_space<hbm>>) target(%dma_start3A_28 : memref<128x32xf32, #tpu.memory_space<vmem>>) offsets(%dma_start3A_29 : memref<128xi32, #tpu.memory_space<vmem>>) semaphore(%arg8 : memref<!tpu.dma_semaphore, #tpu.memory_space<semaphore_mem>>)
      %mul3A_33 = arith.constant 128 : i32
      %mul3A_34 = arith.muli %mul3A_19, %mul3A_33 : i32
      %dma_wait3A = arith.constant 0 : i32
      %dma_wait3A_35 = arith.constant 0 : i32
      %dma_wait3A_36 = arith.constant 0 : i32
      %dma_wait3A_37 = tpu.memref_slice %arg6[%dma_wait3A, %dma_wait3A_35, %dma_wait3A_36] : memref<2x128x32xf32, #tpu.memory_space<vmem>> -> memref<1x128x32xf32, #tpu.memory_space<vmem>>
      %dma_wait3A_38 = tpu.memref_squeeze %dma_wait3A_37 : memref<1x128x32xf32, #tpu.memory_space<vmem>> -> memref<128x32xf32, #tpu.memory_space<vmem>>
      %dma_wait3A_39 = tpu.memref_slice %arg5[%mul3A_34] : memref<16384xi32, #tpu.memory_space<vmem>> -> memref<128xi32, #tpu.memory_space<vmem>>
      %dma_wait3A_40 = arith.constant 0 : i32
      %dma_wait3A_41 = arith.constant 0 : i32
      %dma_wait3A_42 = tpu.memref_slice %arg2[%dma_wait3A_40, %dma_wait3A_41] : memref<16384x32xf32, #tpu.memory_space<hbm>> -> memref<16384x32xf32, #tpu.memory_space<hbm>>
      tpu.wait_indirect_dma semaphore(%arg7 : memref<!tpu.dma_semaphore, #tpu.memory_space<semaphore_mem>>) src(%dma_wait3A_42 : memref<16384x32xf32, #tpu.memory_space<hbm>>) dst(%dma_wait3A_38 : memref<128x32xf32, #tpu.memory_space<vmem>>)
      %mul3A_43 = arith.constant 128 : i32
      %mul3A_44 = arith.muli %mul3A_19, %mul3A_43 : i32
      %add3A_45 = arith.addi %mul3A_2, %mul3A_44 : i32
      %run_scoped3A = arith.constant 0 : i32
      "tpu.region"() ({
        %run_scoped3A_69 = tpu.sem_alloc : memref<!tpu.dma_semaphore, #tpu.memory_space<semaphore_mem>>
        %dma_start3A_70 = arith.constant 0 : i32
        %dma_start3A_71 = arith.constant 0 : i32
        %dma_start3A_72 = tpu.memref_slice %arg6[%run_scoped3A, %dma_start3A_70, %dma_start3A_71] : memref<2x128x32xf32, #tpu.memory_space<vmem>> -> memref<1x128x32xf32, #tpu.memory_space<vmem>>
        %dma_start3A_73 = tpu.memref_squeeze %dma_start3A_72 : memref<1x128x32xf32, #tpu.memory_space<vmem>> -> memref<128x32xf32, #tpu.memory_space<vmem>>
        %dma_start3A_74 = arith.constant 0 : i32
        %dma_start3A_75 = tpu.memref_slice %arg4[%add3A_45, %dma_start3A_74] : memref<524288x32xf32, #tpu.memory_space<hbm>> -> memref<128x32xf32, #tpu.memory_space<hbm>>
        %dma_start3A_76 = arith.constant 0 : i32
        %dma_start3A_77 = tpu.memref_slice %arg4[%add3A_45, %dma_start3A_76] : memref<524288x32xf32, #tpu.memory_space<hbm>> -> memref<128x32xf32, #tpu.memory_space<hbm>>
        %dma_start3A_78 = arith.constant 0 : i32
        %dma_start3A_79 = arith.constant 0 : i32
        %dma_start3A_80 = tpu.memref_slice %arg6[%run_scoped3A, %dma_start3A_78, %dma_start3A_79] : memref<2x128x32xf32, #tpu.memory_space<vmem>> -> memref<1x128x32xf32, #tpu.memory_space<vmem>>
        %dma_start3A_81 = tpu.memref_squeeze %dma_start3A_80 : memref<1x128x32xf32, #tpu.memory_space<vmem>> -> memref<128x32xf32, #tpu.memory_space<vmem>>
        tpu.enqueue_dma source(%dma_start3A_81 : memref<128x32xf32, #tpu.memory_space<vmem>>) target(%dma_start3A_77 : memref<128x32xf32, #tpu.memory_space<hbm>>) target_semaphore(%run_scoped3A_69 : memref<!tpu.dma_semaphore, #tpu.memory_space<semaphore_mem>>)
        %dma_wait3A_82 = arith.constant 0 : i32
        %dma_wait3A_83 = arith.constant 0 : i32
        %dma_wait3A_84 = tpu.memref_slice %arg6[%run_scoped3A, %dma_wait3A_82, %dma_wait3A_83] : memref<2x128x32xf32, #tpu.memory_space<vmem>> -> memref<1x128x32xf32, #tpu.memory_space<vmem>>
        %dma_wait3A_85 = tpu.memref_squeeze %dma_wait3A_84 : memref<1x128x32xf32, #tpu.memory_space<vmem>> -> memref<128x32xf32, #tpu.memory_space<vmem>>
        %dma_wait3A_86 = arith.constant 0 : i32
        %dma_wait3A_87 = tpu.memref_slice %arg4[%add3A_45, %dma_wait3A_86] : memref<524288x32xf32, #tpu.memory_space<hbm>> -> memref<128x32xf32, #tpu.memory_space<hbm>>
        %dma_wait3A_88 = arith.constant 0 : i32
        %dma_wait3A_89 = tpu.memref_slice %arg4[%add3A_45, %dma_wait3A_88] : memref<524288x32xf32, #tpu.memory_space<hbm>> -> memref<128x32xf32, #tpu.memory_space<hbm>>
        %dma_wait3A_90 = arith.constant 0 : i32
        %dma_wait3A_91 = arith.constant 0 : i32
        %dma_wait3A_92 = tpu.memref_slice %arg6[%run_scoped3A, %dma_wait3A_90, %dma_wait3A_91] : memref<2x128x32xf32, #tpu.memory_space<vmem>> -> memref<1x128x32xf32, #tpu.memory_space<vmem>>
        %dma_wait3A_93 = tpu.memref_squeeze %dma_wait3A_92 : memref<1x128x32xf32, #tpu.memory_space<vmem>> -> memref<128x32xf32, #tpu.memory_space<vmem>>
        tpu.wait_dma2 semaphore(%run_scoped3A_69 : memref<!tpu.dma_semaphore, #tpu.memory_space<semaphore_mem>>) src(%dma_wait3A_93 : memref<128x32xf32, #tpu.memory_space<vmem>>) dst(%dma_wait3A_89 : memref<128x32xf32, #tpu.memory_space<hbm>>)
        tpu.yield
      }) : () -> ()
      %add3A_46 = arith.constant 2 : i32
      %add3A_47 = arith.addi %mul3A_19, %add3A_46 : i32
      %lt3A = arith.constant 128 : i32
      %lt3A_48 = arith.cmpi slt, %add3A_47, %lt3A : i32
      %convert_element_type3A = arith.extui %lt3A_48 : i1 to i32
      %cond3A = arith.constant 0 : i32
      %cond3A_49 = arith.cmpi ne, %convert_element_type3A, %cond3A : i32
      scf.if %cond3A_49 {
        %add3A_69 = arith.constant 2 : i32
        %add3A_70 = arith.addi %mul3A_19, %add3A_69 : i32
        %mul3A_71 = arith.constant 128 : i32
        %mul3A_72 = arith.muli %add3A_70, %mul3A_71 : i32
        %dma_start3A_73 = arith.constant 0 : i32
        %dma_start3A_74 = arith.constant 0 : i32
        %dma_start3A_75 = arith.constant 0 : i32
        %dma_start3A_76 = tpu.memref_slice %arg6[%dma_start3A_73, %dma_start3A_74, %dma_start3A_75] : memref<2x128x32xf32, #tpu.memory_space<vmem>> -> memref<1x128x32xf32, #tpu.memory_space<vmem>>
        %dma_start3A_77 = tpu.memref_squeeze %dma_start3A_76 : memref<1x128x32xf32, #tpu.memory_space<vmem>> -> memref<128x32xf32, #tpu.memory_space<vmem>>
        %dma_start3A_78 = tpu.memref_slice %arg5[%mul3A_72] : memref<16384xi32, #tpu.memory_space<vmem>> -> memref<128xi32, #tpu.memory_space<vmem>>
        %dma_start3A_79 = arith.constant 0 : i32
        %dma_start3A_80 = arith.constant 0 : i32
        %dma_start3A_81 = tpu.memref_slice %arg2[%dma_start3A_79, %dma_start3A_80] : memref<16384x32xf32, #tpu.memory_space<hbm>> -> memref<16384x32xf32, #tpu.memory_space<hbm>>
        tpu.enqueue_indirect_dma source(%dma_start3A_81 : memref<16384x32xf32, #tpu.memory_space<hbm>>) target(%dma_start3A_77 : memref<128x32xf32, #tpu.memory_space<vmem>>) offsets(%dma_start3A_78 : memref<128xi32, #tpu.memory_space<vmem>>) semaphore(%arg7 : memref<!tpu.dma_semaphore, #tpu.memory_space<semaphore_mem>>)
      } else {
      }
      %add3A_50 = arith.constant 1 : i32
      %add3A_51 = arith.addi %mul3A_19, %add3A_50 : i32
      %mul3A_52 = arith.constant 128 : i32
      %mul3A_53 = arith.muli %add3A_51, %mul3A_52 : i32
      %dma_wait3A_54 = arith.constant 1 : i32
      %dma_wait3A_55 = arith.constant 0 : i32
      %dma_wait3A_56 = arith.constant 0 : i32
      %dma_wait3A_57 = tpu.memref_slice %arg6[%dma_wait3A_54, %dma_wait3A_55, %dma_wait3A_56] : memref<2x128x32xf32, #tpu.memory_space<vmem>> -> memref<1x128x32xf32, #tpu.memory_space<vmem>>
      %dma_wait3A_58 = tpu.memref_squeeze %dma_wait3A_57 : memref<1x128x32xf32, #tpu.memory_space<vmem>> -> memref<128x32xf32, #tpu.memory_space<vmem>>
      %dma_wait3A_59 = tpu.memref_slice %arg5[%mul3A_53] : memref<16384xi32, #tpu.memory_space<vmem>> -> memref<128xi32, #tpu.memory_space<vmem>>
      %dma_wait3A_60 = arith.constant 0 : i32
      %dma_wait3A_61 = arith.constant 0 : i32
      %dma_wait3A_62 = tpu.memref_slice %arg2[%dma_wait3A_60, %dma_wait3A_61] : memref<16384x32xf32, #tpu.memory_space<hbm>> -> memref<16384x32xf32, #tpu.memory_space<hbm>>
      tpu.wait_indirect_dma semaphore(%arg8 : memref<!tpu.dma_semaphore, #tpu.memory_space<semaphore_mem>>) src(%dma_wait3A_62 : memref<16384x32xf32, #tpu.memory_space<hbm>>) dst(%dma_wait3A_58 : memref<128x32xf32, #tpu.memory_space<vmem>>)
      %add3A_63 = arith.constant 1 : i32
      %add3A_64 = arith.addi %mul3A_19, %add3A_63 : i32
      %mul3A_65 = arith.constant 128 : i32
      %mul3A_66 = arith.muli %add3A_64, %mul3A_65 : i32
      %add3A_67 = arith.addi %mul3A_2, %mul3A_66 : i32
      %run_scoped3A_68 = arith.constant 1 : i32
      "tpu.region"() ({
        %run_scoped3A_69 = tpu.sem_alloc : memref<!tpu.dma_semaphore, #tpu.memory_space<semaphore_mem>>
        %dma_start3A_70 = arith.constant 0 : i32
        %dma_start3A_71 = arith.constant 0 : i32
        %dma_start3A_72 = tpu.memref_slice %arg6[%run_scoped3A_68, %dma_start3A_70, %dma_start3A_71] : memref<2x128x32xf32, #tpu.memory_space<vmem>> -> memref<1x128x32xf32, #tpu.memory_space<vmem>>
        %dma_start3A_73 = tpu.memref_squeeze %dma_start3A_72 : memref<1x128x32xf32, #tpu.memory_space<vmem>> -> memref<128x32xf32, #tpu.memory_space<vmem>>
        %dma_start3A_74 = arith.constant 0 : i32
        %dma_start3A_75 = tpu.memref_slice %arg4[%add3A_67, %dma_start3A_74] : memref<524288x32xf32, #tpu.memory_space<hbm>> -> memref<128x32xf32, #tpu.memory_space<hbm>>
        %dma_start3A_76 = arith.constant 0 : i32
        %dma_start3A_77 = tpu.memref_slice %arg4[%add3A_67, %dma_start3A_76] : memref<524288x32xf32, #tpu.memory_space<hbm>> -> memref<128x32xf32, #tpu.memory_space<hbm>>
        %dma_start3A_78 = arith.constant 0 : i32
        %dma_start3A_79 = arith.constant 0 : i32
        %dma_start3A_80 = tpu.memref_slice %arg6[%run_scoped3A_68, %dma_start3A_78, %dma_start3A_79] : memref<2x128x32xf32, #tpu.memory_space<vmem>> -> memref<1x128x32xf32, #tpu.memory_space<vmem>>
        %dma_start3A_81 = tpu.memref_squeeze %dma_start3A_80 : memref<1x128x32xf32, #tpu.memory_space<vmem>> -> memref<128x32xf32, #tpu.memory_space<vmem>>
        tpu.enqueue_dma source(%dma_start3A_81 : memref<128x32xf32, #tpu.memory_space<vmem>>) target(%dma_start3A_77 : memref<128x32xf32, #tpu.memory_space<hbm>>) target_semaphore(%run_scoped3A_69 : memref<!tpu.dma_semaphore, #tpu.memory_space<semaphore_mem>>)
        %dma_wait3A_82 = arith.constant 0 : i32
        %dma_wait3A_83 = arith.constant 0 : i32
        %dma_wait3A_84 = tpu.memref_slice %arg6[%run_scoped3A_68, %dma_wait3A_82, %dma_wait3A_83] : memref<2x128x32xf32, #tpu.memory_space<vmem>> -> memref<1x128x32xf32, #tpu.memory_space<vmem>>
        %dma_wait3A_85 = tpu.memref_squeeze %dma_wait3A_84 : memref<1x128x32xf32, #tpu.memory_space<vmem>> -> memref<128x32xf32, #tpu.memory_space<vmem>>
        %dma_wait3A_86 = arith.constant 0 : i32
        %dma_wait3A_87 = tpu.memref_slice %arg4[%add3A_67, %dma_wait3A_86] : memref<524288x32xf32, #tpu.memory_space<hbm>> -> memref<128x32xf32, #tpu.memory_space<hbm>>
        %dma_wait3A_88 = arith.constant 0 : i32
        %dma_wait3A_89 = tpu.memref_slice %arg4[%add3A_67, %dma_wait3A_88] : memref<524288x32xf32, #tpu.memory_space<hbm>> -> memref<128x32xf32, #tpu.memory_space<hbm>>
        %dma_wait3A_90 = arith.constant 0 : i32
        %dma_wait3A_91 = arith.constant 0 : i32
        %dma_wait3A_92 = tpu.memref_slice %arg6[%run_scoped3A_68, %dma_wait3A_90, %dma_wait3A_91] : memref<2x128x32xf32, #tpu.memory_space<vmem>> -> memref<1x128x32xf32, #tpu.memory_space<vmem>>
        %dma_wait3A_93 = tpu.memref_squeeze %dma_wait3A_92 : memref<1x128x32xf32, #tpu.memory_space<vmem>> -> memref<128x32xf32, #tpu.memory_space<vmem>>
        tpu.wait_dma2 semaphore(%run_scoped3A_69 : memref<!tpu.dma_semaphore, #tpu.memory_space<semaphore_mem>>) src(%dma_wait3A_93 : memref<128x32xf32, #tpu.memory_space<vmem>>) dst(%dma_wait3A_89 : memref<128x32xf32, #tpu.memory_space<hbm>>)
        tpu.yield
      }) : () -> ()
    }
    %scan3A_16 = arith.constant 64 : i32
    return
  }
}

module attributes {stable_mosaic.version = 14 : i64} {
  func.func @_knn_body(%arg0: i32, %arg1: i32, %arg2: memref<1x3x4096xf32, #tpu.memory_space<vmem>>, %arg3: memref<1x4096x3xf32, #tpu.memory_space<vmem>>, %arg4: memref<1x256x32xi32, #tpu.memory_space<vmem>>, %arg5: memref<640x256xf32, #tpu.memory_space<vmem>>, %arg6: memref<640x256xi32, #tpu.memory_space<vmem>>) attributes {dimension_semantics = [#tpu.dimension_semantics<arbitrary>, #tpu.dimension_semantics<arbitrary>], iteration_bounds = array<i64: 4, 16>, scalar_prefetch = 0 : i64, scratch_operands = 2 : i64, tpu.core_type = #tpu.core_type<tc>, window_params = [{transform_indices = @transform_0, window_bounds = array<i64: 1, 3, 4096>}, {transform_indices = @transform_1, window_bounds = array<i64: 1, 4096, 3>}, {transform_indices = @transform_2, window_bounds = array<i64: 1, 256, 32>}]} {
    %get3A = arith.constant 0 : index
    %get3A_0 = arith.constant 0 : index
    %get3A_1 = arith.constant 0 : index
    %get3A_2 = vector.load %arg3[%get3A, %get3A_0, %get3A_1] : memref<1x4096x3xf32, #tpu.memory_space<vmem>>, vector<1x4096x3xf32>
    %get3A_3 = vector.shape_cast %get3A_2 : vector<1x4096x3xf32> to vector<4096x3xf32>
    %mul3A = arith.constant 256 : i32
    %mul3A_4 = arith.muli %arg1, %mul3A : i32
    %get3A_5 = arith.constant 0 : index
    %get3A_6 = arith.constant 0 : index
    %get3A_7 = arith.index_cast %mul3A_4 : i32 to index
    %get3A_8 = vector.load %arg2[%get3A_5, %get3A_6, %get3A_7] : memref<1x3x4096xf32, #tpu.memory_space<vmem>>, vector<1x3x256xf32>
    %get3A_9 = vector.shape_cast %get3A_8 : vector<1x3x256xf32> to vector<3x256xf32>
    %mul3A_10 = arith.mulf %get3A_3, %get3A_3 : vector<4096x3xf32>
    %reduce_sum3A = arith.constant dense<0.000000e+00> : vector<4096xf32>
    %reduce_sum3A_11 = vector.multi_reduction <add>, %mul3A_10, %reduce_sum3A [1] : vector<4096x3xf32> to vector<4096xf32>
    %broadcast_in_dim3A = vector.shape_cast %reduce_sum3A_11 : vector<4096xf32> to vector<4096x1xf32>
    %mul3A_12 = arith.mulf %get3A_9, %get3A_9 : vector<3x256xf32>
    %reduce_sum3A_13 = arith.constant dense<0.000000e+00> : vector<256xf32>
    %reduce_sum3A_14 = vector.multi_reduction <add>, %mul3A_12, %reduce_sum3A_13 [0] : vector<3x256xf32> to vector<256xf32>
    %broadcast_in_dim3A_15 = vector.shape_cast %reduce_sum3A_14 : vector<256xf32> to vector<1x256xf32>
    %dot_general3A = arith.constant dense<0.000000e+00> : vector<4096x256xf32>
    %dot_general3A_16 = tpu.matmul %get3A_3, %get3A_9, %dot_general3A {dimension_numbers = #tpu.dot_dimension_numbers<[1], [0], [0], [1], [0, 0, 1, 1], [], []>, transpose_lhs_hint = false} : vector<4096x3xf32>, vector<3x256xf32>, vector<4096x256xf32> -> vector<4096x256xf32>
    %add3A = vector.broadcast %broadcast_in_dim3A : vector<4096x1xf32> to vector<4096x256xf32>
    %add3A_17 = vector.broadcast %broadcast_in_dim3A_15 : vector<1x256xf32> to vector<4096x256xf32>
    %add3A_18 = arith.addf %add3A, %add3A_17 : vector<4096x256xf32>
    %mul3A_19 = arith.constant 2.000000e+00 : f32
    %mul3A_20 = vector.broadcast %mul3A_19 : f32 to vector<4096x256xf32>
    %mul3A_21 = arith.mulf %mul3A_20, %dot_general3A_16 : vector<4096x256xf32>
    %sub3A = arith.subf %add3A_18, %mul3A_21 : vector<4096x256xf32>
    %reshape3A = vector.shape_cast %sub3A : vector<4096x256xf32> to vector<64x64x256xf32>
    %iota3A = tpu.iota {dimensions = array<i32: 0>} : vector<64x64x256xi32>
    %mul3A_22 = arith.constant 64 : i32
    %mul3A_23 = vector.broadcast %mul3A_22 : i32 to vector<64x64x256xi32>
    %mul3A_24 = arith.muli %iota3A, %mul3A_23 : vector<64x64x256xi32>
    %iota3A_25 = tpu.iota {dimensions = array<i32: 1>} : vector<64x64x256xi32>
    %add3A_26 = arith.addi %mul3A_24, %iota3A_25 : vector<64x64x256xi32>
    %reduce_min3A = arith.constant dense<0x7F800000> : vector<64x256xf32>
    %reduce_min3A_27 = vector.multi_reduction <minimumf>, %reshape3A, %reduce_min3A [1] : vector<64x64x256xf32> to vector<64x256xf32>
    %broadcast_in_dim3A_28 = vector.shape_cast %reduce_min3A_27 : vector<64x256xf32> to vector<64x1x256xf32>
    %eq3A = vector.broadcast %broadcast_in_dim3A_28 : vector<64x1x256xf32> to vector<64x64x256xf32>
    %eq3A_29 = arith.cmpf oeq, %reshape3A, %eq3A : vector<64x64x256xf32>
    %jit3A = arith.constant 1073741824 : i32
    %broadcast_in_dim3A_30 = vector.broadcast %jit3A : i32 to vector<64x64x256xi32>
    %select_n3A = arith.select %eq3A_29, %add3A_26, %broadcast_in_dim3A_30 : vector<64x64x256xi1>, vector<64x64x256xi32>
    %reduce_min3A_31 = arith.constant dense<2147483647> : vector<64x256xi32>
    %reduce_min3A_32 = vector.multi_reduction <minsi>, %select_n3A, %reduce_min3A_31 [1] : vector<64x64x256xi32> to vector<64x256xi32>
    %broadcast_in_dim3A_33 = vector.shape_cast %reduce_min3A_32 : vector<64x256xi32> to vector<64x1x256xi32>
    %squeeze3A = vector.shape_cast %broadcast_in_dim3A_28 : vector<64x1x256xf32> to vector<64x256xf32>
    %swap3A = arith.constant 0 : index
    %swap3A_34 = arith.constant 0 : index
    %swap3A_35 = vector.load %arg5[%swap3A, %swap3A_34] : memref<640x256xf32, #tpu.memory_space<vmem>>, vector<64x256xf32>
    tpu.vector_store %arg5[%swap3A, %swap3A_34], %squeeze3A {strides = array<i32>} : memref<640x256xf32, #tpu.memory_space<vmem>>, vector<64x256xf32>,
    %squeeze3A_36 = vector.shape_cast %broadcast_in_dim3A_33 : vector<64x1x256xi32> to vector<64x256xi32>
    %swap3A_37 = arith.constant 0 : index
    %swap3A_38 = arith.constant 0 : index
    %swap3A_39 = vector.load %arg6[%swap3A_37, %swap3A_38] : memref<640x256xi32, #tpu.memory_space<vmem>>, vector<64x256xi32>
    tpu.vector_store %arg6[%swap3A_37, %swap3A_38], %squeeze3A_36 {strides = array<i32>} : memref<640x256xi32, #tpu.memory_space<vmem>>, vector<64x256xi32>,
    %eq3A_40 = vector.broadcast %broadcast_in_dim3A_33 : vector<64x1x256xi32> to vector<64x64x256xi32>
    %eq3A_41 = arith.cmpi eq, %add3A_26, %eq3A_40 : vector<64x64x256xi32>
    %jit3A_42 = arith.constant 0x7F800000 : f32
    %broadcast_in_dim3A_43 = vector.broadcast %jit3A_42 : f32 to vector<64x64x256xf32>
    %select_n3A_44 = arith.select %eq3A_41, %broadcast_in_dim3A_43, %reshape3A : vector<64x64x256xi1>, vector<64x64x256xf32>
    %reduce_min3A_45 = arith.constant dense<0x7F800000> : vector<64x256xf32>
    %reduce_min3A_46 = vector.multi_reduction <minimumf>, %select_n3A_44, %reduce_min3A_45 [1] : vector<64x64x256xf32> to vector<64x256xf32>
    %broadcast_in_dim3A_47 = vector.shape_cast %reduce_min3A_46 : vector<64x256xf32> to vector<64x1x256xf32>
    %eq3A_48 = vector.broadcast %broadcast_in_dim3A_47 : vector<64x1x256xf32> to vector<64x64x256xf32>
    %eq3A_49 = arith.cmpf oeq, %select_n3A_44, %eq3A_48 : vector<64x64x256xf32>
    %jit3A_50 = arith.constant 1073741824 : i32
    %broadcast_in_dim3A_51 = vector.broadcast %jit3A_50 : i32 to vector<64x64x256xi32>
    %select_n3A_52 = arith.select %eq3A_49, %add3A_26, %broadcast_in_dim3A_51 : vector<64x64x256xi1>, vector<64x64x256xi32>
    %reduce_min3A_53 = arith.constant dense<2147483647> : vector<64x256xi32>
    %reduce_min3A_54 = vector.multi_reduction <minsi>, %select_n3A_52, %reduce_min3A_53 [1] : vector<64x64x256xi32> to vector<64x256xi32>
    %broadcast_in_dim3A_55 = vector.shape_cast %reduce_min3A_54 : vector<64x256xi32> to vector<64x1x256xi32>
    %squeeze3A_56 = vector.shape_cast %broadcast_in_dim3A_47 : vector<64x1x256xf32> to vector<64x256xf32>
    %swap3A_57 = arith.constant 64 : index
    %swap3A_58 = arith.constant 0 : index
    %swap3A_59 = vector.load %arg5[%swap3A_57, %swap3A_58] : memref<640x256xf32, #tpu.memory_space<vmem>>, vector<64x256xf32>
    tpu.vector_store %arg5[%swap3A_57, %swap3A_58], %squeeze3A_56 {strides = array<i32>} : memref<640x256xf32, #tpu.memory_space<vmem>>, vector<64x256xf32>,
    %squeeze3A_60 = vector.shape_cast %broadcast_in_dim3A_55 : vector<64x1x256xi32> to vector<64x256xi32>
    %swap3A_61 = arith.constant 64 : index
    %swap3A_62 = arith.constant 0 : index
    %swap3A_63 = vector.load %arg6[%swap3A_61, %swap3A_62] : memref<640x256xi32, #tpu.memory_space<vmem>>, vector<64x256xi32>
    tpu.vector_store %arg6[%swap3A_61, %swap3A_62], %squeeze3A_60 {strides = array<i32>} : memref<640x256xi32, #tpu.memory_space<vmem>>, vector<64x256xi32>,
    %eq3A_64 = vector.broadcast %broadcast_in_dim3A_55 : vector<64x1x256xi32> to vector<64x64x256xi32>
    %eq3A_65 = arith.cmpi eq, %add3A_26, %eq3A_64 : vector<64x64x256xi32>
    %jit3A_66 = arith.constant 0x7F800000 : f32
    %broadcast_in_dim3A_67 = vector.broadcast %jit3A_66 : f32 to vector<64x64x256xf32>
    %select_n3A_68 = arith.select %eq3A_65, %broadcast_in_dim3A_67, %select_n3A_44 : vector<64x64x256xi1>, vector<64x64x256xf32>
    %reduce_min3A_69 = arith.constant dense<0x7F800000> : vector<64x256xf32>
    %reduce_min3A_70 = vector.multi_reduction <minimumf>, %select_n3A_68, %reduce_min3A_69 [1] : vector<64x64x256xf32> to vector<64x256xf32>
    %broadcast_in_dim3A_71 = vector.shape_cast %reduce_min3A_70 : vector<64x256xf32> to vector<64x1x256xf32>
    %eq3A_72 = vector.broadcast %broadcast_in_dim3A_71 : vector<64x1x256xf32> to vector<64x64x256xf32>
    %eq3A_73 = arith.cmpf oeq, %select_n3A_68, %eq3A_72 : vector<64x64x256xf32>
    %jit3A_74 = arith.constant 1073741824 : i32
    %broadcast_in_dim3A_75 = vector.broadcast %jit3A_74 : i32 to vector<64x64x256xi32>
    %select_n3A_76 = arith.select %eq3A_73, %add3A_26, %broadcast_in_dim3A_75 : vector<64x64x256xi1>, vector<64x64x256xi32>
    %reduce_min3A_77 = arith.constant dense<2147483647> : vector<64x256xi32>
    %reduce_min3A_78 = vector.multi_reduction <minsi>, %select_n3A_76, %reduce_min3A_77 [1] : vector<64x64x256xi32> to vector<64x256xi32>
    %broadcast_in_dim3A_79 = vector.shape_cast %reduce_min3A_78 : vector<64x256xi32> to vector<64x1x256xi32>
    %squeeze3A_80 = vector.shape_cast %broadcast_in_dim3A_71 : vector<64x1x256xf32> to vector<64x256xf32>
    %swap3A_81 = arith.constant 128 : index
    %swap3A_82 = arith.constant 0 : index
    %swap3A_83 = vector.load %arg5[%swap3A_81, %swap3A_82] : memref<640x256xf32, #tpu.memory_space<vmem>>, vector<64x256xf32>
    tpu.vector_store %arg5[%swap3A_81, %swap3A_82], %squeeze3A_80 {strides = array<i32>} : memref<640x256xf32, #tpu.memory_space<vmem>>, vector<64x256xf32>,
    %squeeze3A_84 = vector.shape_cast %broadcast_in_dim3A_79 : vector<64x1x256xi32> to vector<64x256xi32>
    %swap3A_85 = arith.constant 128 : index
    %swap3A_86 = arith.constant 0 : index
    %swap3A_87 = vector.load %arg6[%swap3A_85, %swap3A_86] : memref<640x256xi32, #tpu.memory_space<vmem>>, vector<64x256xi32>
    tpu.vector_store %arg6[%swap3A_85, %swap3A_86], %squeeze3A_84 {strides = array<i32>} : memref<640x256xi32, #tpu.memory_space<vmem>>, vector<64x256xi32>,
    %eq3A_88 = vector.broadcast %broadcast_in_dim3A_79 : vector<64x1x256xi32> to vector<64x64x256xi32>
    %eq3A_89 = arith.cmpi eq, %add3A_26, %eq3A_88 : vector<64x64x256xi32>
    %jit3A_90 = arith.constant 0x7F800000 : f32
    %broadcast_in_dim3A_91 = vector.broadcast %jit3A_90 : f32 to vector<64x64x256xf32>
    %select_n3A_92 = arith.select %eq3A_89, %broadcast_in_dim3A_91, %select_n3A_68 : vector<64x64x256xi1>, vector<64x64x256xf32>
    %reduce_min3A_93 = arith.constant dense<0x7F800000> : vector<64x256xf32>
    %reduce_min3A_94 = vector.multi_reduction <minimumf>, %select_n3A_92, %reduce_min3A_93 [1] : vector<64x64x256xf32> to vector<64x256xf32>
    %broadcast_in_dim3A_95 = vector.shape_cast %reduce_min3A_94 : vector<64x256xf32> to vector<64x1x256xf32>
    %eq3A_96 = vector.broadcast %broadcast_in_dim3A_95 : vector<64x1x256xf32> to vector<64x64x256xf32>
    %eq3A_97 = arith.cmpf oeq, %select_n3A_92, %eq3A_96 : vector<64x64x256xf32>
    %jit3A_98 = arith.constant 1073741824 : i32
    %broadcast_in_dim3A_99 = vector.broadcast %jit3A_98 : i32 to vector<64x64x256xi32>
    %select_n3A_100 = arith.select %eq3A_97, %add3A_26, %broadcast_in_dim3A_99 : vector<64x64x256xi1>, vector<64x64x256xi32>
    %reduce_min3A_101 = arith.constant dense<2147483647> : vector<64x256xi32>
    %reduce_min3A_102 = vector.multi_reduction <minsi>, %select_n3A_100, %reduce_min3A_101 [1] : vector<64x64x256xi32> to vector<64x256xi32>
    %broadcast_in_dim3A_103 = vector.shape_cast %reduce_min3A_102 : vector<64x256xi32> to vector<64x1x256xi32>
    %squeeze3A_104 = vector.shape_cast %broadcast_in_dim3A_95 : vector<64x1x256xf32> to vector<64x256xf32>
    %swap3A_105 = arith.constant 192 : index
    %swap3A_106 = arith.constant 0 : index
    %swap3A_107 = vector.load %arg5[%swap3A_105, %swap3A_106] : memref<640x256xf32, #tpu.memory_space<vmem>>, vector<64x256xf32>
    tpu.vector_store %arg5[%swap3A_105, %swap3A_106], %squeeze3A_104 {strides = array<i32>} : memref<640x256xf32, #tpu.memory_space<vmem>>, vector<64x256xf32>,
    %squeeze3A_108 = vector.shape_cast %broadcast_in_dim3A_103 : vector<64x1x256xi32> to vector<64x256xi32>
    %swap3A_109 = arith.constant 192 : index
    %swap3A_110 = arith.constant 0 : index
    %swap3A_111 = vector.load %arg6[%swap3A_109, %swap3A_110] : memref<640x256xi32, #tpu.memory_space<vmem>>, vector<64x256xi32>
    tpu.vector_store %arg6[%swap3A_109, %swap3A_110], %squeeze3A_108 {strides = array<i32>} : memref<640x256xi32, #tpu.memory_space<vmem>>, vector<64x256xi32>,
    %eq3A_112 = vector.broadcast %broadcast_in_dim3A_103 : vector<64x1x256xi32> to vector<64x64x256xi32>
    %eq3A_113 = arith.cmpi eq, %add3A_26, %eq3A_112 : vector<64x64x256xi32>
    %jit3A_114 = arith.constant 0x7F800000 : f32
    %broadcast_in_dim3A_115 = vector.broadcast %jit3A_114 : f32 to vector<64x64x256xf32>
    %select_n3A_116 = arith.select %eq3A_113, %broadcast_in_dim3A_115, %select_n3A_92 : vector<64x64x256xi1>, vector<64x64x256xf32>
    %reduce_min3A_117 = arith.constant dense<0x7F800000> : vector<64x256xf32>
    %reduce_min3A_118 = vector.multi_reduction <minimumf>, %select_n3A_116, %reduce_min3A_117 [1] : vector<64x64x256xf32> to vector<64x256xf32>
    %broadcast_in_dim3A_119 = vector.shape_cast %reduce_min3A_118 : vector<64x256xf32> to vector<64x1x256xf32>
    %eq3A_120 = vector.broadcast %broadcast_in_dim3A_119 : vector<64x1x256xf32> to vector<64x64x256xf32>
    %eq3A_121 = arith.cmpf oeq, %select_n3A_116, %eq3A_120 : vector<64x64x256xf32>
    %jit3A_122 = arith.constant 1073741824 : i32
    %broadcast_in_dim3A_123 = vector.broadcast %jit3A_122 : i32 to vector<64x64x256xi32>
    %select_n3A_124 = arith.select %eq3A_121, %add3A_26, %broadcast_in_dim3A_123 : vector<64x64x256xi1>, vector<64x64x256xi32>
    %reduce_min3A_125 = arith.constant dense<2147483647> : vector<64x256xi32>
    %reduce_min3A_126 = vector.multi_reduction <minsi>, %select_n3A_124, %reduce_min3A_125 [1] : vector<64x64x256xi32> to vector<64x256xi32>
    %broadcast_in_dim3A_127 = vector.shape_cast %reduce_min3A_126 : vector<64x256xi32> to vector<64x1x256xi32>
    %squeeze3A_128 = vector.shape_cast %broadcast_in_dim3A_119 : vector<64x1x256xf32> to vector<64x256xf32>
    %swap3A_129 = arith.constant 256 : index
    %swap3A_130 = arith.constant 0 : index
    %swap3A_131 = vector.load %arg5[%swap3A_129, %swap3A_130] : memref<640x256xf32, #tpu.memory_space<vmem>>, vector<64x256xf32>
    tpu.vector_store %arg5[%swap3A_129, %swap3A_130], %squeeze3A_128 {strides = array<i32>} : memref<640x256xf32, #tpu.memory_space<vmem>>, vector<64x256xf32>,
    %squeeze3A_132 = vector.shape_cast %broadcast_in_dim3A_127 : vector<64x1x256xi32> to vector<64x256xi32>
    %swap3A_133 = arith.constant 256 : index
    %swap3A_134 = arith.constant 0 : index
    %swap3A_135 = vector.load %arg6[%swap3A_133, %swap3A_134] : memref<640x256xi32, #tpu.memory_space<vmem>>, vector<64x256xi32>
    tpu.vector_store %arg6[%swap3A_133, %swap3A_134], %squeeze3A_132 {strides = array<i32>} : memref<640x256xi32, #tpu.memory_space<vmem>>, vector<64x256xi32>,
    %eq3A_136 = vector.broadcast %broadcast_in_dim3A_127 : vector<64x1x256xi32> to vector<64x64x256xi32>
    %eq3A_137 = arith.cmpi eq, %add3A_26, %eq3A_136 : vector<64x64x256xi32>
    %jit3A_138 = arith.constant 0x7F800000 : f32
    %broadcast_in_dim3A_139 = vector.broadcast %jit3A_138 : f32 to vector<64x64x256xf32>
    %select_n3A_140 = arith.select %eq3A_137, %broadcast_in_dim3A_139, %select_n3A_116 : vector<64x64x256xi1>, vector<64x64x256xf32>
    %reduce_min3A_141 = arith.constant dense<0x7F800000> : vector<64x256xf32>
    %reduce_min3A_142 = vector.multi_reduction <minimumf>, %select_n3A_140, %reduce_min3A_141 [1] : vector<64x64x256xf32> to vector<64x256xf32>
    %broadcast_in_dim3A_143 = vector.shape_cast %reduce_min3A_142 : vector<64x256xf32> to vector<64x1x256xf32>
    %eq3A_144 = vector.broadcast %broadcast_in_dim3A_143 : vector<64x1x256xf32> to vector<64x64x256xf32>
    %eq3A_145 = arith.cmpf oeq, %select_n3A_140, %eq3A_144 : vector<64x64x256xf32>
    %jit3A_146 = arith.constant 1073741824 : i32
    %broadcast_in_dim3A_147 = vector.broadcast %jit3A_146 : i32 to vector<64x64x256xi32>
    %select_n3A_148 = arith.select %eq3A_145, %add3A_26, %broadcast_in_dim3A_147 : vector<64x64x256xi1>, vector<64x64x256xi32>
    %reduce_min3A_149 = arith.constant dense<2147483647> : vector<64x256xi32>
    %reduce_min3A_150 = vector.multi_reduction <minsi>, %select_n3A_148, %reduce_min3A_149 [1] : vector<64x64x256xi32> to vector<64x256xi32>
    %broadcast_in_dim3A_151 = vector.shape_cast %reduce_min3A_150 : vector<64x256xi32> to vector<64x1x256xi32>
    %squeeze3A_152 = vector.shape_cast %broadcast_in_dim3A_143 : vector<64x1x256xf32> to vector<64x256xf32>
    %swap3A_153 = arith.constant 320 : index
    %swap3A_154 = arith.constant 0 : index
    %swap3A_155 = vector.load %arg5[%swap3A_153, %swap3A_154] : memref<640x256xf32, #tpu.memory_space<vmem>>, vector<64x256xf32>
    tpu.vector_store %arg5[%swap3A_153, %swap3A_154], %squeeze3A_152 {strides = array<i32>} : memref<640x256xf32, #tpu.memory_space<vmem>>, vector<64x256xf32>,
    %squeeze3A_156 = vector.shape_cast %broadcast_in_dim3A_151 : vector<64x1x256xi32> to vector<64x256xi32>
    %swap3A_157 = arith.constant 320 : index
    %swap3A_158 = arith.constant 0 : index
    %swap3A_159 = vector.load %arg6[%swap3A_157, %swap3A_158] : memref<640x256xi32, #tpu.memory_space<vmem>>, vector<64x256xi32>
    tpu.vector_store %arg6[%swap3A_157, %swap3A_158], %squeeze3A_156 {strides = array<i32>} : memref<640x256xi32, #tpu.memory_space<vmem>>, vector<64x256xi32>,
    %eq3A_160 = vector.broadcast %broadcast_in_dim3A_151 : vector<64x1x256xi32> to vector<64x64x256xi32>
    %eq3A_161 = arith.cmpi eq, %add3A_26, %eq3A_160 : vector<64x64x256xi32>
    %jit3A_162 = arith.constant 0x7F800000 : f32
    %broadcast_in_dim3A_163 = vector.broadcast %jit3A_162 : f32 to vector<64x64x256xf32>
    %select_n3A_164 = arith.select %eq3A_161, %broadcast_in_dim3A_163, %select_n3A_140 : vector<64x64x256xi1>, vector<64x64x256xf32>
    %reduce_min3A_165 = arith.constant dense<0x7F800000> : vector<64x256xf32>
    %reduce_min3A_166 = vector.multi_reduction <minimumf>, %select_n3A_164, %reduce_min3A_165 [1] : vector<64x64x256xf32> to vector<64x256xf32>
    %broadcast_in_dim3A_167 = vector.shape_cast %reduce_min3A_166 : vector<64x256xf32> to vector<64x1x256xf32>
    %eq3A_168 = vector.broadcast %broadcast_in_dim3A_167 : vector<64x1x256xf32> to vector<64x64x256xf32>
    %eq3A_169 = arith.cmpf oeq, %select_n3A_164, %eq3A_168 : vector<64x64x256xf32>
    %jit3A_170 = arith.constant 1073741824 : i32
    %broadcast_in_dim3A_171 = vector.broadcast %jit3A_170 : i32 to vector<64x64x256xi32>
    %select_n3A_172 = arith.select %eq3A_169, %add3A_26, %broadcast_in_dim3A_171 : vector<64x64x256xi1>, vector<64x64x256xi32>
    %reduce_min3A_173 = arith.constant dense<2147483647> : vector<64x256xi32>
    %reduce_min3A_174 = vector.multi_reduction <minsi>, %select_n3A_172, %reduce_min3A_173 [1] : vector<64x64x256xi32> to vector<64x256xi32>
    %broadcast_in_dim3A_175 = vector.shape_cast %reduce_min3A_174 : vector<64x256xi32> to vector<64x1x256xi32>
    %squeeze3A_176 = vector.shape_cast %broadcast_in_dim3A_167 : vector<64x1x256xf32> to vector<64x256xf32>
    %swap3A_177 = arith.constant 384 : index
    %swap3A_178 = arith.constant 0 : index
    %swap3A_179 = vector.load %arg5[%swap3A_177, %swap3A_178] : memref<640x256xf32, #tpu.memory_space<vmem>>, vector<64x256xf32>
    tpu.vector_store %arg5[%swap3A_177, %swap3A_178], %squeeze3A_176 {strides = array<i32>} : memref<640x256xf32, #tpu.memory_space<vmem>>, vector<64x256xf32>,
    %squeeze3A_180 = vector.shape_cast %broadcast_in_dim3A_175 : vector<64x1x256xi32> to vector<64x256xi32>
    %swap3A_181 = arith.constant 384 : index
    %swap3A_182 = arith.constant 0 : index
    %swap3A_183 = vector.load %arg6[%swap3A_181, %swap3A_182] : memref<640x256xi32, #tpu.memory_space<vmem>>, vector<64x256xi32>
    tpu.vector_store %arg6[%swap3A_181, %swap3A_182], %squeeze3A_180 {strides = array<i32>} : memref<640x256xi32, #tpu.memory_space<vmem>>, vector<64x256xi32>,
    %eq3A_184 = vector.broadcast %broadcast_in_dim3A_175 : vector<64x1x256xi32> to vector<64x64x256xi32>
    %eq3A_185 = arith.cmpi eq, %add3A_26, %eq3A_184 : vector<64x64x256xi32>
    %jit3A_186 = arith.constant 0x7F800000 : f32
    %broadcast_in_dim3A_187 = vector.broadcast %jit3A_186 : f32 to vector<64x64x256xf32>
    %select_n3A_188 = arith.select %eq3A_185, %broadcast_in_dim3A_187, %select_n3A_164 : vector<64x64x256xi1>, vector<64x64x256xf32>
    %reduce_min3A_189 = arith.constant dense<0x7F800000> : vector<64x256xf32>
    %reduce_min3A_190 = vector.multi_reduction <minimumf>, %select_n3A_188, %reduce_min3A_189 [1] : vector<64x64x256xf32> to vector<64x256xf32>
    %broadcast_in_dim3A_191 = vector.shape_cast %reduce_min3A_190 : vector<64x256xf32> to vector<64x1x256xf32>
    %eq3A_192 = vector.broadcast %broadcast_in_dim3A_191 : vector<64x1x256xf32> to vector<64x64x256xf32>
    %eq3A_193 = arith.cmpf oeq, %select_n3A_188, %eq3A_192 : vector<64x64x256xf32>
    %jit3A_194 = arith.constant 1073741824 : i32
    %broadcast_in_dim3A_195 = vector.broadcast %jit3A_194 : i32 to vector<64x64x256xi32>
    %select_n3A_196 = arith.select %eq3A_193, %add3A_26, %broadcast_in_dim3A_195 : vector<64x64x256xi1>, vector<64x64x256xi32>
    %reduce_min3A_197 = arith.constant dense<2147483647> : vector<64x256xi32>
    %reduce_min3A_198 = vector.multi_reduction <minsi>, %select_n3A_196, %reduce_min3A_197 [1] : vector<64x64x256xi32> to vector<64x256xi32>
    %broadcast_in_dim3A_199 = vector.shape_cast %reduce_min3A_198 : vector<64x256xi32> to vector<64x1x256xi32>
    %squeeze3A_200 = vector.shape_cast %broadcast_in_dim3A_191 : vector<64x1x256xf32> to vector<64x256xf32>
    %swap3A_201 = arith.constant 448 : index
    %swap3A_202 = arith.constant 0 : index
    %swap3A_203 = vector.load %arg5[%swap3A_201, %swap3A_202] : memref<640x256xf32, #tpu.memory_space<vmem>>, vector<64x256xf32>
    tpu.vector_store %arg5[%swap3A_201, %swap3A_202], %squeeze3A_200 {strides = array<i32>} : memref<640x256xf32, #tpu.memory_space<vmem>>, vector<64x256xf32>,
    %squeeze3A_204 = vector.shape_cast %broadcast_in_dim3A_199 : vector<64x1x256xi32> to vector<64x256xi32>
    %swap3A_205 = arith.constant 448 : index
    %swap3A_206 = arith.constant 0 : index
    %swap3A_207 = vector.load %arg6[%swap3A_205, %swap3A_206] : memref<640x256xi32, #tpu.memory_space<vmem>>, vector<64x256xi32>
    tpu.vector_store %arg6[%swap3A_205, %swap3A_206], %squeeze3A_204 {strides = array<i32>} : memref<640x256xi32, #tpu.memory_space<vmem>>, vector<64x256xi32>,
    %eq3A_208 = vector.broadcast %broadcast_in_dim3A_199 : vector<64x1x256xi32> to vector<64x64x256xi32>
    %eq3A_209 = arith.cmpi eq, %add3A_26, %eq3A_208 : vector<64x64x256xi32>
    %jit3A_210 = arith.constant 0x7F800000 : f32
    %broadcast_in_dim3A_211 = vector.broadcast %jit3A_210 : f32 to vector<64x64x256xf32>
    %select_n3A_212 = arith.select %eq3A_209, %broadcast_in_dim3A_211, %select_n3A_188 : vector<64x64x256xi1>, vector<64x64x256xf32>
    %reduce_min3A_213 = arith.constant dense<0x7F800000> : vector<64x256xf32>
    %reduce_min3A_214 = vector.multi_reduction <minimumf>, %select_n3A_212, %reduce_min3A_213 [1] : vector<64x64x256xf32> to vector<64x256xf32>
    %broadcast_in_dim3A_215 = vector.shape_cast %reduce_min3A_214 : vector<64x256xf32> to vector<64x1x256xf32>
    %eq3A_216 = vector.broadcast %broadcast_in_dim3A_215 : vector<64x1x256xf32> to vector<64x64x256xf32>
    %eq3A_217 = arith.cmpf oeq, %select_n3A_212, %eq3A_216 : vector<64x64x256xf32>
    %jit3A_218 = arith.constant 1073741824 : i32
    %broadcast_in_dim3A_219 = vector.broadcast %jit3A_218 : i32 to vector<64x64x256xi32>
    %select_n3A_220 = arith.select %eq3A_217, %add3A_26, %broadcast_in_dim3A_219 : vector<64x64x256xi1>, vector<64x64x256xi32>
    %reduce_min3A_221 = arith.constant dense<2147483647> : vector<64x256xi32>
    %reduce_min3A_222 = vector.multi_reduction <minsi>, %select_n3A_220, %reduce_min3A_221 [1] : vector<64x64x256xi32> to vector<64x256xi32>
    %broadcast_in_dim3A_223 = vector.shape_cast %reduce_min3A_222 : vector<64x256xi32> to vector<64x1x256xi32>
    %squeeze3A_224 = vector.shape_cast %broadcast_in_dim3A_215 : vector<64x1x256xf32> to vector<64x256xf32>
    %swap3A_225 = arith.constant 512 : index
    %swap3A_226 = arith.constant 0 : index
    %swap3A_227 = vector.load %arg5[%swap3A_225, %swap3A_226] : memref<640x256xf32, #tpu.memory_space<vmem>>, vector<64x256xf32>
    tpu.vector_store %arg5[%swap3A_225, %swap3A_226], %squeeze3A_224 {strides = array<i32>} : memref<640x256xf32, #tpu.memory_space<vmem>>, vector<64x256xf32>,
    %squeeze3A_228 = vector.shape_cast %broadcast_in_dim3A_223 : vector<64x1x256xi32> to vector<64x256xi32>
    %swap3A_229 = arith.constant 512 : index
    %swap3A_230 = arith.constant 0 : index
    %swap3A_231 = vector.load %arg6[%swap3A_229, %swap3A_230] : memref<640x256xi32, #tpu.memory_space<vmem>>, vector<64x256xi32>
    tpu.vector_store %arg6[%swap3A_229, %swap3A_230], %squeeze3A_228 {strides = array<i32>} : memref<640x256xi32, #tpu.memory_space<vmem>>, vector<64x256xi32>,
    %eq3A_232 = vector.broadcast %broadcast_in_dim3A_223 : vector<64x1x256xi32> to vector<64x64x256xi32>
    %eq3A_233 = arith.cmpi eq, %add3A_26, %eq3A_232 : vector<64x64x256xi32>
    %jit3A_234 = arith.constant 0x7F800000 : f32
    %broadcast_in_dim3A_235 = vector.broadcast %jit3A_234 : f32 to vector<64x64x256xf32>
    %select_n3A_236 = arith.select %eq3A_233, %broadcast_in_dim3A_235, %select_n3A_212 : vector<64x64x256xi1>, vector<64x64x256xf32>
    %reduce_min3A_237 = arith.constant dense<0x7F800000> : vector<64x256xf32>
    %reduce_min3A_238 = vector.multi_reduction <minimumf>, %select_n3A_236, %reduce_min3A_237 [1] : vector<64x64x256xf32> to vector<64x256xf32>
    %broadcast_in_dim3A_239 = vector.shape_cast %reduce_min3A_238 : vector<64x256xf32> to vector<64x1x256xf32>
    %eq3A_240 = vector.broadcast %broadcast_in_dim3A_239 : vector<64x1x256xf32> to vector<64x64x256xf32>
    %eq3A_241 = arith.cmpf oeq, %select_n3A_236, %eq3A_240 : vector<64x64x256xf32>
    %jit3A_242 = arith.constant 1073741824 : i32
    %broadcast_in_dim3A_243 = vector.broadcast %jit3A_242 : i32 to vector<64x64x256xi32>
    %select_n3A_244 = arith.select %eq3A_241, %add3A_26, %broadcast_in_dim3A_243 : vector<64x64x256xi1>, vector<64x64x256xi32>
    %reduce_min3A_245 = arith.constant dense<2147483647> : vector<64x256xi32>
    %reduce_min3A_246 = vector.multi_reduction <minsi>, %select_n3A_244, %reduce_min3A_245 [1] : vector<64x64x256xi32> to vector<64x256xi32>
    %broadcast_in_dim3A_247 = vector.shape_cast %reduce_min3A_246 : vector<64x256xi32> to vector<64x1x256xi32>
    %squeeze3A_248 = vector.shape_cast %broadcast_in_dim3A_239 : vector<64x1x256xf32> to vector<64x256xf32>
    %swap3A_249 = arith.constant 576 : index
    %swap3A_250 = arith.constant 0 : index
    %swap3A_251 = vector.load %arg5[%swap3A_249, %swap3A_250] : memref<640x256xf32, #tpu.memory_space<vmem>>, vector<64x256xf32>
    tpu.vector_store %arg5[%swap3A_249, %swap3A_250], %squeeze3A_248 {strides = array<i32>} : memref<640x256xf32, #tpu.memory_space<vmem>>, vector<64x256xf32>,
    %squeeze3A_252 = vector.shape_cast %broadcast_in_dim3A_247 : vector<64x1x256xi32> to vector<64x256xi32>
    %swap3A_253 = arith.constant 576 : index
    %swap3A_254 = arith.constant 0 : index
    %swap3A_255 = vector.load %arg6[%swap3A_253, %swap3A_254] : memref<640x256xi32, #tpu.memory_space<vmem>>, vector<64x256xi32>
    tpu.vector_store %arg6[%swap3A_253, %swap3A_254], %squeeze3A_252 {strides = array<i32>} : memref<640x256xi32, #tpu.memory_space<vmem>>, vector<64x256xi32>,
    %get3A_256 = arith.constant 0 : index
    %get3A_257 = arith.constant 0 : index
    %get3A_258 = vector.load %arg5[%get3A_256, %get3A_257] : memref<640x256xf32, #tpu.memory_space<vmem>>, vector<640x256xf32>
    %get3A_259 = arith.constant 0 : index
    %get3A_260 = arith.constant 0 : index
    %get3A_261 = vector.load %arg6[%get3A_259, %get3A_260] : memref<640x256xi32, #tpu.memory_space<vmem>>, vector<640x256xi32>
    %iota3A_262 = tpu.iota {dimensions = array<i32: 0>} : vector<32x256xi32>
    %broadcast_in_dim3A_263 = arith.constant 0 : i32
    %broadcast_in_dim3A_264 = vector.broadcast %broadcast_in_dim3A_263 : i32 to vector<32x256xi32>
    %reduce_min3A_265 = arith.constant dense<0x7F800000> : vector<256xf32>
    %reduce_min3A_266 = vector.multi_reduction <minimumf>, %get3A_258, %reduce_min3A_265 [0] : vector<640x256xf32> to vector<256xf32>
    %broadcast_in_dim3A_267 = vector.shape_cast %reduce_min3A_266 : vector<256xf32> to vector<1x256xf32>
    %eq3A_268 = vector.broadcast %broadcast_in_dim3A_267 : vector<1x256xf32> to vector<640x256xf32>
    %eq3A_269 = arith.cmpf oeq, %get3A_258, %eq3A_268 : vector<640x256xf32>
    %jit3A_270 = arith.constant 1073741824 : i32
    %broadcast_in_dim3A_271 = vector.broadcast %jit3A_270 : i32 to vector<640x256xi32>
    %select_n3A_272 = arith.select %eq3A_269, %get3A_261, %broadcast_in_dim3A_271 : vector<640x256xi1>, vector<640x256xi32>
    %reduce_min3A_273 = arith.constant dense<2147483647> : vector<256xi32>
    %reduce_min3A_274 = vector.multi_reduction <minsi>, %select_n3A_272, %reduce_min3A_273 [0] : vector<640x256xi32> to vector<256xi32>
    %broadcast_in_dim3A_275 = vector.shape_cast %reduce_min3A_274 : vector<256xi32> to vector<1x256xi32>
    %eq3A_276 = arith.constant 0 : i32
    %eq3A_277 = vector.broadcast %eq3A_276 : i32 to vector<32x256xi32>
    %eq3A_278 = arith.cmpi eq, %iota3A_262, %eq3A_277 : vector<32x256xi32>
    %broadcast_in_dim3A_279 = vector.shape_cast %broadcast_in_dim3A_275 : vector<1x256xi32> to vector<1x256xi32>
    %broadcast_in_dim3A_280 = vector.broadcast %broadcast_in_dim3A_279 : vector<1x256xi32> to vector<32x256xi32>
    %select_n3A_281 = arith.select %eq3A_278, %broadcast_in_dim3A_280, %broadcast_in_dim3A_264 : vector<32x256xi1>, vector<32x256xi32>
    %eq3A_282 = vector.broadcast %broadcast_in_dim3A_275 : vector<1x256xi32> to vector<640x256xi32>
    %eq3A_283 = arith.cmpi eq, %get3A_261, %eq3A_282 : vector<640x256xi32>
    %jit3A_284 = arith.constant 0x7F800000 : f32
    %broadcast_in_dim3A_285 = vector.broadcast %jit3A_284 : f32 to vector<640x256xf32>
    %select_n3A_286 = arith.select %eq3A_283, %broadcast_in_dim3A_285, %get3A_258 : vector<640x256xi1>, vector<640x256xf32>
    %reduce_min3A_287 = arith.constant dense<0x7F800000> : vector<256xf32>
    %reduce_min3A_288 = vector.multi_reduction <minimumf>, %select_n3A_286, %reduce_min3A_287 [0] : vector<640x256xf32> to vector<256xf32>
    %broadcast_in_dim3A_289 = vector.shape_cast %reduce_min3A_288 : vector<256xf32> to vector<1x256xf32>
    %eq3A_290 = vector.broadcast %broadcast_in_dim3A_289 : vector<1x256xf32> to vector<640x256xf32>
    %eq3A_291 = arith.cmpf oeq, %select_n3A_286, %eq3A_290 : vector<640x256xf32>
    %jit3A_292 = arith.constant 1073741824 : i32
    %broadcast_in_dim3A_293 = vector.broadcast %jit3A_292 : i32 to vector<640x256xi32>
    %select_n3A_294 = arith.select %eq3A_291, %get3A_261, %broadcast_in_dim3A_293 : vector<640x256xi1>, vector<640x256xi32>
    %reduce_min3A_295 = arith.constant dense<2147483647> : vector<256xi32>
    %reduce_min3A_296 = vector.multi_reduction <minsi>, %select_n3A_294, %reduce_min3A_295 [0] : vector<640x256xi32> to vector<256xi32>
    %broadcast_in_dim3A_297 = vector.shape_cast %reduce_min3A_296 : vector<256xi32> to vector<1x256xi32>
    %eq3A_298 = arith.constant 1 : i32
    %eq3A_299 = vector.broadcast %eq3A_298 : i32 to vector<32x256xi32>
    %eq3A_300 = arith.cmpi eq, %iota3A_262, %eq3A_299 : vector<32x256xi32>
    %broadcast_in_dim3A_301 = vector.shape_cast %broadcast_in_dim3A_297 : vector<1x256xi32> to vector<1x256xi32>
    %broadcast_in_dim3A_302 = vector.broadcast %broadcast_in_dim3A_301 : vector<1x256xi32> to vector<32x256xi32>
    %select_n3A_303 = arith.select %eq3A_300, %broadcast_in_dim3A_302, %select_n3A_281 : vector<32x256xi1>, vector<32x256xi32>
    %eq3A_304 = vector.broadcast %broadcast_in_dim3A_297 : vector<1x256xi32> to vector<640x256xi32>
    %eq3A_305 = arith.cmpi eq, %get3A_261, %eq3A_304 : vector<640x256xi32>
    %jit3A_306 = arith.constant 0x7F800000 : f32
    %broadcast_in_dim3A_307 = vector.broadcast %jit3A_306 : f32 to vector<640x256xf32>
    %select_n3A_308 = arith.select %eq3A_305, %broadcast_in_dim3A_307, %select_n3A_286 : vector<640x256xi1>, vector<640x256xf32>
    %reduce_min3A_309 = arith.constant dense<0x7F800000> : vector<256xf32>
    %reduce_min3A_310 = vector.multi_reduction <minimumf>, %select_n3A_308, %reduce_min3A_309 [0] : vector<640x256xf32> to vector<256xf32>
    %broadcast_in_dim3A_311 = vector.shape_cast %reduce_min3A_310 : vector<256xf32> to vector<1x256xf32>
    %eq3A_312 = vector.broadcast %broadcast_in_dim3A_311 : vector<1x256xf32> to vector<640x256xf32>
    %eq3A_313 = arith.cmpf oeq, %select_n3A_308, %eq3A_312 : vector<640x256xf32>
    %jit3A_314 = arith.constant 1073741824 : i32
    %broadcast_in_dim3A_315 = vector.broadcast %jit3A_314 : i32 to vector<640x256xi32>
    %select_n3A_316 = arith.select %eq3A_313, %get3A_261, %broadcast_in_dim3A_315 : vector<640x256xi1>, vector<640x256xi32>
    %reduce_min3A_317 = arith.constant dense<2147483647> : vector<256xi32>
    %reduce_min3A_318 = vector.multi_reduction <minsi>, %select_n3A_316, %reduce_min3A_317 [0] : vector<640x256xi32> to vector<256xi32>
    %broadcast_in_dim3A_319 = vector.shape_cast %reduce_min3A_318 : vector<256xi32> to vector<1x256xi32>
    %eq3A_320 = arith.constant 2 : i32
    %eq3A_321 = vector.broadcast %eq3A_320 : i32 to vector<32x256xi32>
    %eq3A_322 = arith.cmpi eq, %iota3A_262, %eq3A_321 : vector<32x256xi32>
    %broadcast_in_dim3A_323 = vector.shape_cast %broadcast_in_dim3A_319 : vector<1x256xi32> to vector<1x256xi32>
    %broadcast_in_dim3A_324 = vector.broadcast %broadcast_in_dim3A_323 : vector<1x256xi32> to vector<32x256xi32>
    %select_n3A_325 = arith.select %eq3A_322, %broadcast_in_dim3A_324, %select_n3A_303 : vector<32x256xi1>, vector<32x256xi32>
    %eq3A_326 = vector.broadcast %broadcast_in_dim3A_319 : vector<1x256xi32> to vector<640x256xi32>
    %eq3A_327 = arith.cmpi eq, %get3A_261, %eq3A_326 : vector<640x256xi32>
    %jit3A_328 = arith.constant 0x7F800000 : f32
    %broadcast_in_dim3A_329 = vector.broadcast %jit3A_328 : f32 to vector<640x256xf32>
    %select_n3A_330 = arith.select %eq3A_327, %broadcast_in_dim3A_329, %select_n3A_308 : vector<640x256xi1>, vector<640x256xf32>
    %reduce_min3A_331 = arith.constant dense<0x7F800000> : vector<256xf32>
    %reduce_min3A_332 = vector.multi_reduction <minimumf>, %select_n3A_330, %reduce_min3A_331 [0] : vector<640x256xf32> to vector<256xf32>
    %broadcast_in_dim3A_333 = vector.shape_cast %reduce_min3A_332 : vector<256xf32> to vector<1x256xf32>
    %eq3A_334 = vector.broadcast %broadcast_in_dim3A_333 : vector<1x256xf32> to vector<640x256xf32>
    %eq3A_335 = arith.cmpf oeq, %select_n3A_330, %eq3A_334 : vector<640x256xf32>
    %jit3A_336 = arith.constant 1073741824 : i32
    %broadcast_in_dim3A_337 = vector.broadcast %jit3A_336 : i32 to vector<640x256xi32>
    %select_n3A_338 = arith.select %eq3A_335, %get3A_261, %broadcast_in_dim3A_337 : vector<640x256xi1>, vector<640x256xi32>
    %reduce_min3A_339 = arith.constant dense<2147483647> : vector<256xi32>
    %reduce_min3A_340 = vector.multi_reduction <minsi>, %select_n3A_338, %reduce_min3A_339 [0] : vector<640x256xi32> to vector<256xi32>
    %broadcast_in_dim3A_341 = vector.shape_cast %reduce_min3A_340 : vector<256xi32> to vector<1x256xi32>
    %eq3A_342 = arith.constant 3 : i32
    %eq3A_343 = vector.broadcast %eq3A_342 : i32 to vector<32x256xi32>
    %eq3A_344 = arith.cmpi eq, %iota3A_262, %eq3A_343 : vector<32x256xi32>
    %broadcast_in_dim3A_345 = vector.shape_cast %broadcast_in_dim3A_341 : vector<1x256xi32> to vector<1x256xi32>
    %broadcast_in_dim3A_346 = vector.broadcast %broadcast_in_dim3A_345 : vector<1x256xi32> to vector<32x256xi32>
    %select_n3A_347 = arith.select %eq3A_344, %broadcast_in_dim3A_346, %select_n3A_325 : vector<32x256xi1>, vector<32x256xi32>
    %eq3A_348 = vector.broadcast %broadcast_in_dim3A_341 : vector<1x256xi32> to vector<640x256xi32>
    %eq3A_349 = arith.cmpi eq, %get3A_261, %eq3A_348 : vector<640x256xi32>
    %jit3A_350 = arith.constant 0x7F800000 : f32
    %broadcast_in_dim3A_351 = vector.broadcast %jit3A_350 : f32 to vector<640x256xf32>
    %select_n3A_352 = arith.select %eq3A_349, %broadcast_in_dim3A_351, %select_n3A_330 : vector<640x256xi1>, vector<640x256xf32>
    %reduce_min3A_353 = arith.constant dense<0x7F800000> : vector<256xf32>
    %reduce_min3A_354 = vector.multi_reduction <minimumf>, %select_n3A_352, %reduce_min3A_353 [0] : vector<640x256xf32> to vector<256xf32>
    %broadcast_in_dim3A_355 = vector.shape_cast %reduce_min3A_354 : vector<256xf32> to vector<1x256xf32>
    %eq3A_356 = vector.broadcast %broadcast_in_dim3A_355 : vector<1x256xf32> to vector<640x256xf32>
    %eq3A_357 = arith.cmpf oeq, %select_n3A_352, %eq3A_356 : vector<640x256xf32>
    %jit3A_358 = arith.constant 1073741824 : i32
    %broadcast_in_dim3A_359 = vector.broadcast %jit3A_358 : i32 to vector<640x256xi32>
    %select_n3A_360 = arith.select %eq3A_357, %get3A_261, %broadcast_in_dim3A_359 : vector<640x256xi1>, vector<640x256xi32>
    %reduce_min3A_361 = arith.constant dense<2147483647> : vector<256xi32>
    %reduce_min3A_362 = vector.multi_reduction <minsi>, %select_n3A_360, %reduce_min3A_361 [0] : vector<640x256xi32> to vector<256xi32>
    %broadcast_in_dim3A_363 = vector.shape_cast %reduce_min3A_362 : vector<256xi32> to vector<1x256xi32>
    %eq3A_364 = arith.constant 4 : i32
    %eq3A_365 = vector.broadcast %eq3A_364 : i32 to vector<32x256xi32>
    %eq3A_366 = arith.cmpi eq, %iota3A_262, %eq3A_365 : vector<32x256xi32>
    %broadcast_in_dim3A_367 = vector.shape_cast %broadcast_in_dim3A_363 : vector<1x256xi32> to vector<1x256xi32>
    %broadcast_in_dim3A_368 = vector.broadcast %broadcast_in_dim3A_367 : vector<1x256xi32> to vector<32x256xi32>
    %select_n3A_369 = arith.select %eq3A_366, %broadcast_in_dim3A_368, %select_n3A_347 : vector<32x256xi1>, vector<32x256xi32>
    %eq3A_370 = vector.broadcast %broadcast_in_dim3A_363 : vector<1x256xi32> to vector<640x256xi32>
    %eq3A_371 = arith.cmpi eq, %get3A_261, %eq3A_370 : vector<640x256xi32>
    %jit3A_372 = arith.constant 0x7F800000 : f32
    %broadcast_in_dim3A_373 = vector.broadcast %jit3A_372 : f32 to vector<640x256xf32>
    %select_n3A_374 = arith.select %eq3A_371, %broadcast_in_dim3A_373, %select_n3A_352 : vector<640x256xi1>, vector<640x256xf32>
    %reduce_min3A_375 = arith.constant dense<0x7F800000> : vector<256xf32>
    %reduce_min3A_376 = vector.multi_reduction <minimumf>, %select_n3A_374, %reduce_min3A_375 [0] : vector<640x256xf32> to vector<256xf32>
    %broadcast_in_dim3A_377 = vector.shape_cast %reduce_min3A_376 : vector<256xf32> to vector<1x256xf32>
    %eq3A_378 = vector.broadcast %broadcast_in_dim3A_377 : vector<1x256xf32> to vector<640x256xf32>
    %eq3A_379 = arith.cmpf oeq, %select_n3A_374, %eq3A_378 : vector<640x256xf32>
    %jit3A_380 = arith.constant 1073741824 : i32
    %broadcast_in_dim3A_381 = vector.broadcast %jit3A_380 : i32 to vector<640x256xi32>
    %select_n3A_382 = arith.select %eq3A_379, %get3A_261, %broadcast_in_dim3A_381 : vector<640x256xi1>, vector<640x256xi32>
    %reduce_min3A_383 = arith.constant dense<2147483647> : vector<256xi32>
    %reduce_min3A_384 = vector.multi_reduction <minsi>, %select_n3A_382, %reduce_min3A_383 [0] : vector<640x256xi32> to vector<256xi32>
    %broadcast_in_dim3A_385 = vector.shape_cast %reduce_min3A_384 : vector<256xi32> to vector<1x256xi32>
    %eq3A_386 = arith.constant 5 : i32
    %eq3A_387 = vector.broadcast %eq3A_386 : i32 to vector<32x256xi32>
    %eq3A_388 = arith.cmpi eq, %iota3A_262, %eq3A_387 : vector<32x256xi32>
    %broadcast_in_dim3A_389 = vector.shape_cast %broadcast_in_dim3A_385 : vector<1x256xi32> to vector<1x256xi32>
    %broadcast_in_dim3A_390 = vector.broadcast %broadcast_in_dim3A_389 : vector<1x256xi32> to vector<32x256xi32>
    %select_n3A_391 = arith.select %eq3A_388, %broadcast_in_dim3A_390, %select_n3A_369 : vector<32x256xi1>, vector<32x256xi32>
    %eq3A_392 = vector.broadcast %broadcast_in_dim3A_385 : vector<1x256xi32> to vector<640x256xi32>
    %eq3A_393 = arith.cmpi eq, %get3A_261, %eq3A_392 : vector<640x256xi32>
    %jit3A_394 = arith.constant 0x7F800000 : f32
    %broadcast_in_dim3A_395 = vector.broadcast %jit3A_394 : f32 to vector<640x256xf32>
    %select_n3A_396 = arith.select %eq3A_393, %broadcast_in_dim3A_395, %select_n3A_374 : vector<640x256xi1>, vector<640x256xf32>
    %reduce_min3A_397 = arith.constant dense<0x7F800000> : vector<256xf32>
    %reduce_min3A_398 = vector.multi_reduction <minimumf>, %select_n3A_396, %reduce_min3A_397 [0] : vector<640x256xf32> to vector<256xf32>
    %broadcast_in_dim3A_399 = vector.shape_cast %reduce_min3A_398 : vector<256xf32> to vector<1x256xf32>
    %eq3A_400 = vector.broadcast %broadcast_in_dim3A_399 : vector<1x256xf32> to vector<640x256xf32>
    %eq3A_401 = arith.cmpf oeq, %select_n3A_396, %eq3A_400 : vector<640x256xf32>
    %jit3A_402 = arith.constant 1073741824 : i32
    %broadcast_in_dim3A_403 = vector.broadcast %jit3A_402 : i32 to vector<640x256xi32>
    %select_n3A_404 = arith.select %eq3A_401, %get3A_261, %broadcast_in_dim3A_403 : vector<640x256xi1>, vector<640x256xi32>
    %reduce_min3A_405 = arith.constant dense<2147483647> : vector<256xi32>
    %reduce_min3A_406 = vector.multi_reduction <minsi>, %select_n3A_404, %reduce_min3A_405 [0] : vector<640x256xi32> to vector<256xi32>
    %broadcast_in_dim3A_407 = vector.shape_cast %reduce_min3A_406 : vector<256xi32> to vector<1x256xi32>
    %eq3A_408 = arith.constant 6 : i32
    %eq3A_409 = vector.broadcast %eq3A_408 : i32 to vector<32x256xi32>
    %eq3A_410 = arith.cmpi eq, %iota3A_262, %eq3A_409 : vector<32x256xi32>
    %broadcast_in_dim3A_411 = vector.shape_cast %broadcast_in_dim3A_407 : vector<1x256xi32> to vector<1x256xi32>
    %broadcast_in_dim3A_412 = vector.broadcast %broadcast_in_dim3A_411 : vector<1x256xi32> to vector<32x256xi32>
    %select_n3A_413 = arith.select %eq3A_410, %broadcast_in_dim3A_412, %select_n3A_391 : vector<32x256xi1>, vector<32x256xi32>
    %eq3A_414 = vector.broadcast %broadcast_in_dim3A_407 : vector<1x256xi32> to vector<640x256xi32>
    %eq3A_415 = arith.cmpi eq, %get3A_261, %eq3A_414 : vector<640x256xi32>
    %jit3A_416 = arith.constant 0x7F800000 : f32
    %broadcast_in_dim3A_417 = vector.broadcast %jit3A_416 : f32 to vector<640x256xf32>
    %select_n3A_418 = arith.select %eq3A_415, %broadcast_in_dim3A_417, %select_n3A_396 : vector<640x256xi1>, vector<640x256xf32>
    %reduce_min3A_419 = arith.constant dense<0x7F800000> : vector<256xf32>
    %reduce_min3A_420 = vector.multi_reduction <minimumf>, %select_n3A_418, %reduce_min3A_419 [0] : vector<640x256xf32> to vector<256xf32>
    %broadcast_in_dim3A_421 = vector.shape_cast %reduce_min3A_420 : vector<256xf32> to vector<1x256xf32>
    %eq3A_422 = vector.broadcast %broadcast_in_dim3A_421 : vector<1x256xf32> to vector<640x256xf32>
    %eq3A_423 = arith.cmpf oeq, %select_n3A_418, %eq3A_422 : vector<640x256xf32>
    %jit3A_424 = arith.constant 1073741824 : i32
    %broadcast_in_dim3A_425 = vector.broadcast %jit3A_424 : i32 to vector<640x256xi32>
    %select_n3A_426 = arith.select %eq3A_423, %get3A_261, %broadcast_in_dim3A_425 : vector<640x256xi1>, vector<640x256xi32>
    %reduce_min3A_427 = arith.constant dense<2147483647> : vector<256xi32>
    %reduce_min3A_428 = vector.multi_reduction <minsi>, %select_n3A_426, %reduce_min3A_427 [0] : vector<640x256xi32> to vector<256xi32>
    %broadcast_in_dim3A_429 = vector.shape_cast %reduce_min3A_428 : vector<256xi32> to vector<1x256xi32>
    %eq3A_430 = arith.constant 7 : i32
    %eq3A_431 = vector.broadcast %eq3A_430 : i32 to vector<32x256xi32>
    %eq3A_432 = arith.cmpi eq, %iota3A_262, %eq3A_431 : vector<32x256xi32>
    %broadcast_in_dim3A_433 = vector.shape_cast %broadcast_in_dim3A_429 : vector<1x256xi32> to vector<1x256xi32>
    %broadcast_in_dim3A_434 = vector.broadcast %broadcast_in_dim3A_433 : vector<1x256xi32> to vector<32x256xi32>
    %select_n3A_435 = arith.select %eq3A_432, %broadcast_in_dim3A_434, %select_n3A_413 : vector<32x256xi1>, vector<32x256xi32>
    %eq3A_436 = vector.broadcast %broadcast_in_dim3A_429 : vector<1x256xi32> to vector<640x256xi32>
    %eq3A_437 = arith.cmpi eq, %get3A_261, %eq3A_436 : vector<640x256xi32>
    %jit3A_438 = arith.constant 0x7F800000 : f32
    %broadcast_in_dim3A_439 = vector.broadcast %jit3A_438 : f32 to vector<640x256xf32>
    %select_n3A_440 = arith.select %eq3A_437, %broadcast_in_dim3A_439, %select_n3A_418 : vector<640x256xi1>, vector<640x256xf32>
    %reduce_min3A_441 = arith.constant dense<0x7F800000> : vector<256xf32>
    %reduce_min3A_442 = vector.multi_reduction <minimumf>, %select_n3A_440, %reduce_min3A_441 [0] : vector<640x256xf32> to vector<256xf32>
    %broadcast_in_dim3A_443 = vector.shape_cast %reduce_min3A_442 : vector<256xf32> to vector<1x256xf32>
    %eq3A_444 = vector.broadcast %broadcast_in_dim3A_443 : vector<1x256xf32> to vector<640x256xf32>
    %eq3A_445 = arith.cmpf oeq, %select_n3A_440, %eq3A_444 : vector<640x256xf32>
    %jit3A_446 = arith.constant 1073741824 : i32
    %broadcast_in_dim3A_447 = vector.broadcast %jit3A_446 : i32 to vector<640x256xi32>
    %select_n3A_448 = arith.select %eq3A_445, %get3A_261, %broadcast_in_dim3A_447 : vector<640x256xi1>, vector<640x256xi32>
    %reduce_min3A_449 = arith.constant dense<2147483647> : vector<256xi32>
    %reduce_min3A_450 = vector.multi_reduction <minsi>, %select_n3A_448, %reduce_min3A_449 [0] : vector<640x256xi32> to vector<256xi32>
    %broadcast_in_dim3A_451 = vector.shape_cast %reduce_min3A_450 : vector<256xi32> to vector<1x256xi32>
    %eq3A_452 = arith.constant 8 : i32
    %eq3A_453 = vector.broadcast %eq3A_452 : i32 to vector<32x256xi32>
    %eq3A_454 = arith.cmpi eq, %iota3A_262, %eq3A_453 : vector<32x256xi32>
    %broadcast_in_dim3A_455 = vector.shape_cast %broadcast_in_dim3A_451 : vector<1x256xi32> to vector<1x256xi32>
    %broadcast_in_dim3A_456 = vector.broadcast %broadcast_in_dim3A_455 : vector<1x256xi32> to vector<32x256xi32>
    %select_n3A_457 = arith.select %eq3A_454, %broadcast_in_dim3A_456, %select_n3A_435 : vector<32x256xi1>, vector<32x256xi32>
    %eq3A_458 = vector.broadcast %broadcast_in_dim3A_451 : vector<1x256xi32> to vector<640x256xi32>
    %eq3A_459 = arith.cmpi eq, %get3A_261, %eq3A_458 : vector<640x256xi32>
    %jit3A_460 = arith.constant 0x7F800000 : f32
    %broadcast_in_dim3A_461 = vector.broadcast %jit3A_460 : f32 to vector<640x256xf32>
    %select_n3A_462 = arith.select %eq3A_459, %broadcast_in_dim3A_461, %select_n3A_440 : vector<640x256xi1>, vector<640x256xf32>
    %reduce_min3A_463 = arith.constant dense<0x7F800000> : vector<256xf32>
    %reduce_min3A_464 = vector.multi_reduction <minimumf>, %select_n3A_462, %reduce_min3A_463 [0] : vector<640x256xf32> to vector<256xf32>
    %broadcast_in_dim3A_465 = vector.shape_cast %reduce_min3A_464 : vector<256xf32> to vector<1x256xf32>
    %eq3A_466 = vector.broadcast %broadcast_in_dim3A_465 : vector<1x256xf32> to vector<640x256xf32>
    %eq3A_467 = arith.cmpf oeq, %select_n3A_462, %eq3A_466 : vector<640x256xf32>
    %jit3A_468 = arith.constant 1073741824 : i32
    %broadcast_in_dim3A_469 = vector.broadcast %jit3A_468 : i32 to vector<640x256xi32>
    %select_n3A_470 = arith.select %eq3A_467, %get3A_261, %broadcast_in_dim3A_469 : vector<640x256xi1>, vector<640x256xi32>
    %reduce_min3A_471 = arith.constant dense<2147483647> : vector<256xi32>
    %reduce_min3A_472 = vector.multi_reduction <minsi>, %select_n3A_470, %reduce_min3A_471 [0] : vector<640x256xi32> to vector<256xi32>
    %broadcast_in_dim3A_473 = vector.shape_cast %reduce_min3A_472 : vector<256xi32> to vector<1x256xi32>
    %eq3A_474 = arith.constant 9 : i32
    %eq3A_475 = vector.broadcast %eq3A_474 : i32 to vector<32x256xi32>
    %eq3A_476 = arith.cmpi eq, %iota3A_262, %eq3A_475 : vector<32x256xi32>
    %broadcast_in_dim3A_477 = vector.shape_cast %broadcast_in_dim3A_473 : vector<1x256xi32> to vector<1x256xi32>
    %broadcast_in_dim3A_478 = vector.broadcast %broadcast_in_dim3A_477 : vector<1x256xi32> to vector<32x256xi32>
    %select_n3A_479 = arith.select %eq3A_476, %broadcast_in_dim3A_478, %select_n3A_457 : vector<32x256xi1>, vector<32x256xi32>
    %eq3A_480 = vector.broadcast %broadcast_in_dim3A_473 : vector<1x256xi32> to vector<640x256xi32>
    %eq3A_481 = arith.cmpi eq, %get3A_261, %eq3A_480 : vector<640x256xi32>
    %jit3A_482 = arith.constant 0x7F800000 : f32
    %broadcast_in_dim3A_483 = vector.broadcast %jit3A_482 : f32 to vector<640x256xf32>
    %select_n3A_484 = arith.select %eq3A_481, %broadcast_in_dim3A_483, %select_n3A_462 : vector<640x256xi1>, vector<640x256xf32>
    %reduce_min3A_485 = arith.constant dense<0x7F800000> : vector<256xf32>
    %reduce_min3A_486 = vector.multi_reduction <minimumf>, %select_n3A_484, %reduce_min3A_485 [0] : vector<640x256xf32> to vector<256xf32>
    %broadcast_in_dim3A_487 = vector.shape_cast %reduce_min3A_486 : vector<256xf32> to vector<1x256xf32>
    %eq3A_488 = vector.broadcast %broadcast_in_dim3A_487 : vector<1x256xf32> to vector<640x256xf32>
    %eq3A_489 = arith.cmpf oeq, %select_n3A_484, %eq3A_488 : vector<640x256xf32>
    %jit3A_490 = arith.constant 1073741824 : i32
    %broadcast_in_dim3A_491 = vector.broadcast %jit3A_490 : i32 to vector<640x256xi32>
    %select_n3A_492 = arith.select %eq3A_489, %get3A_261, %broadcast_in_dim3A_491 : vector<640x256xi1>, vector<640x256xi32>
    %reduce_min3A_493 = arith.constant dense<2147483647> : vector<256xi32>
    %reduce_min3A_494 = vector.multi_reduction <minsi>, %select_n3A_492, %reduce_min3A_493 [0] : vector<640x256xi32> to vector<256xi32>
    %broadcast_in_dim3A_495 = vector.shape_cast %reduce_min3A_494 : vector<256xi32> to vector<1x256xi32>
    %eq3A_496 = arith.constant 10 : i32
    %eq3A_497 = vector.broadcast %eq3A_496 : i32 to vector<32x256xi32>
    %eq3A_498 = arith.cmpi eq, %iota3A_262, %eq3A_497 : vector<32x256xi32>
    %broadcast_in_dim3A_499 = vector.shape_cast %broadcast_in_dim3A_495 : vector<1x256xi32> to vector<1x256xi32>
    %broadcast_in_dim3A_500 = vector.broadcast %broadcast_in_dim3A_499 : vector<1x256xi32> to vector<32x256xi32>
    %select_n3A_501 = arith.select %eq3A_498, %broadcast_in_dim3A_500, %select_n3A_479 : vector<32x256xi1>, vector<32x256xi32>
    %eq3A_502 = vector.broadcast %broadcast_in_dim3A_495 : vector<1x256xi32> to vector<640x256xi32>
    %eq3A_503 = arith.cmpi eq, %get3A_261, %eq3A_502 : vector<640x256xi32>
    %jit3A_504 = arith.constant 0x7F800000 : f32
    %broadcast_in_dim3A_505 = vector.broadcast %jit3A_504 : f32 to vector<640x256xf32>
    %select_n3A_506 = arith.select %eq3A_503, %broadcast_in_dim3A_505, %select_n3A_484 : vector<640x256xi1>, vector<640x256xf32>
    %reduce_min3A_507 = arith.constant dense<0x7F800000> : vector<256xf32>
    %reduce_min3A_508 = vector.multi_reduction <minimumf>, %select_n3A_506, %reduce_min3A_507 [0] : vector<640x256xf32> to vector<256xf32>
    %broadcast_in_dim3A_509 = vector.shape_cast %reduce_min3A_508 : vector<256xf32> to vector<1x256xf32>
    %eq3A_510 = vector.broadcast %broadcast_in_dim3A_509 : vector<1x256xf32> to vector<640x256xf32>
    %eq3A_511 = arith.cmpf oeq, %select_n3A_506, %eq3A_510 : vector<640x256xf32>
    %jit3A_512 = arith.constant 1073741824 : i32
    %broadcast_in_dim3A_513 = vector.broadcast %jit3A_512 : i32 to vector<640x256xi32>
    %select_n3A_514 = arith.select %eq3A_511, %get3A_261, %broadcast_in_dim3A_513 : vector<640x256xi1>, vector<640x256xi32>
    %reduce_min3A_515 = arith.constant dense<2147483647> : vector<256xi32>
    %reduce_min3A_516 = vector.multi_reduction <minsi>, %select_n3A_514, %reduce_min3A_515 [0] : vector<640x256xi32> to vector<256xi32>
    %broadcast_in_dim3A_517 = vector.shape_cast %reduce_min3A_516 : vector<256xi32> to vector<1x256xi32>
    %eq3A_518 = arith.constant 11 : i32
    %eq3A_519 = vector.broadcast %eq3A_518 : i32 to vector<32x256xi32>
    %eq3A_520 = arith.cmpi eq, %iota3A_262, %eq3A_519 : vector<32x256xi32>
    %broadcast_in_dim3A_521 = vector.shape_cast %broadcast_in_dim3A_517 : vector<1x256xi32> to vector<1x256xi32>
    %broadcast_in_dim3A_522 = vector.broadcast %broadcast_in_dim3A_521 : vector<1x256xi32> to vector<32x256xi32>
    %select_n3A_523 = arith.select %eq3A_520, %broadcast_in_dim3A_522, %select_n3A_501 : vector<32x256xi1>, vector<32x256xi32>
    %eq3A_524 = vector.broadcast %broadcast_in_dim3A_517 : vector<1x256xi32> to vector<640x256xi32>
    %eq3A_525 = arith.cmpi eq, %get3A_261, %eq3A_524 : vector<640x256xi32>
    %jit3A_526 = arith.constant 0x7F800000 : f32
    %broadcast_in_dim3A_527 = vector.broadcast %jit3A_526 : f32 to vector<640x256xf32>
    %select_n3A_528 = arith.select %eq3A_525, %broadcast_in_dim3A_527, %select_n3A_506 : vector<640x256xi1>, vector<640x256xf32>
    %reduce_min3A_529 = arith.constant dense<0x7F800000> : vector<256xf32>
    %reduce_min3A_530 = vector.multi_reduction <minimumf>, %select_n3A_528, %reduce_min3A_529 [0] : vector<640x256xf32> to vector<256xf32>
    %broadcast_in_dim3A_531 = vector.shape_cast %reduce_min3A_530 : vector<256xf32> to vector<1x256xf32>
    %eq3A_532 = vector.broadcast %broadcast_in_dim3A_531 : vector<1x256xf32> to vector<640x256xf32>
    %eq3A_533 = arith.cmpf oeq, %select_n3A_528, %eq3A_532 : vector<640x256xf32>
    %jit3A_534 = arith.constant 1073741824 : i32
    %broadcast_in_dim3A_535 = vector.broadcast %jit3A_534 : i32 to vector<640x256xi32>
    %select_n3A_536 = arith.select %eq3A_533, %get3A_261, %broadcast_in_dim3A_535 : vector<640x256xi1>, vector<640x256xi32>
    %reduce_min3A_537 = arith.constant dense<2147483647> : vector<256xi32>
    %reduce_min3A_538 = vector.multi_reduction <minsi>, %select_n3A_536, %reduce_min3A_537 [0] : vector<640x256xi32> to vector<256xi32>
    %broadcast_in_dim3A_539 = vector.shape_cast %reduce_min3A_538 : vector<256xi32> to vector<1x256xi32>
    %eq3A_540 = arith.constant 12 : i32
    %eq3A_541 = vector.broadcast %eq3A_540 : i32 to vector<32x256xi32>
    %eq3A_542 = arith.cmpi eq, %iota3A_262, %eq3A_541 : vector<32x256xi32>
    %broadcast_in_dim3A_543 = vector.shape_cast %broadcast_in_dim3A_539 : vector<1x256xi32> to vector<1x256xi32>
    %broadcast_in_dim3A_544 = vector.broadcast %broadcast_in_dim3A_543 : vector<1x256xi32> to vector<32x256xi32>
    %select_n3A_545 = arith.select %eq3A_542, %broadcast_in_dim3A_544, %select_n3A_523 : vector<32x256xi1>, vector<32x256xi32>
    %eq3A_546 = vector.broadcast %broadcast_in_dim3A_539 : vector<1x256xi32> to vector<640x256xi32>
    %eq3A_547 = arith.cmpi eq, %get3A_261, %eq3A_546 : vector<640x256xi32>
    %jit3A_548 = arith.constant 0x7F800000 : f32
    %broadcast_in_dim3A_549 = vector.broadcast %jit3A_548 : f32 to vector<640x256xf32>
    %select_n3A_550 = arith.select %eq3A_547, %broadcast_in_dim3A_549, %select_n3A_528 : vector<640x256xi1>, vector<640x256xf32>
    %reduce_min3A_551 = arith.constant dense<0x7F800000> : vector<256xf32>
    %reduce_min3A_552 = vector.multi_reduction <minimumf>, %select_n3A_550, %reduce_min3A_551 [0] : vector<640x256xf32> to vector<256xf32>
    %broadcast_in_dim3A_553 = vector.shape_cast %reduce_min3A_552 : vector<256xf32> to vector<1x256xf32>
    %eq3A_554 = vector.broadcast %broadcast_in_dim3A_553 : vector<1x256xf32> to vector<640x256xf32>
    %eq3A_555 = arith.cmpf oeq, %select_n3A_550, %eq3A_554 : vector<640x256xf32>
    %jit3A_556 = arith.constant 1073741824 : i32
    %broadcast_in_dim3A_557 = vector.broadcast %jit3A_556 : i32 to vector<640x256xi32>
    %select_n3A_558 = arith.select %eq3A_555, %get3A_261, %broadcast_in_dim3A_557 : vector<640x256xi1>, vector<640x256xi32>
    %reduce_min3A_559 = arith.constant dense<2147483647> : vector<256xi32>
    %reduce_min3A_560 = vector.multi_reduction <minsi>, %select_n3A_558, %reduce_min3A_559 [0] : vector<640x256xi32> to vector<256xi32>
    %broadcast_in_dim3A_561 = vector.shape_cast %reduce_min3A_560 : vector<256xi32> to vector<1x256xi32>
    %eq3A_562 = arith.constant 13 : i32
    %eq3A_563 = vector.broadcast %eq3A_562 : i32 to vector<32x256xi32>
    %eq3A_564 = arith.cmpi eq, %iota3A_262, %eq3A_563 : vector<32x256xi32>
    %broadcast_in_dim3A_565 = vector.shape_cast %broadcast_in_dim3A_561 : vector<1x256xi32> to vector<1x256xi32>
    %broadcast_in_dim3A_566 = vector.broadcast %broadcast_in_dim3A_565 : vector<1x256xi32> to vector<32x256xi32>
    %select_n3A_567 = arith.select %eq3A_564, %broadcast_in_dim3A_566, %select_n3A_545 : vector<32x256xi1>, vector<32x256xi32>
    %eq3A_568 = vector.broadcast %broadcast_in_dim3A_561 : vector<1x256xi32> to vector<640x256xi32>
    %eq3A_569 = arith.cmpi eq, %get3A_261, %eq3A_568 : vector<640x256xi32>
    %jit3A_570 = arith.constant 0x7F800000 : f32
    %broadcast_in_dim3A_571 = vector.broadcast %jit3A_570 : f32 to vector<640x256xf32>
    %select_n3A_572 = arith.select %eq3A_569, %broadcast_in_dim3A_571, %select_n3A_550 : vector<640x256xi1>, vector<640x256xf32>
    %reduce_min3A_573 = arith.constant dense<0x7F800000> : vector<256xf32>
    %reduce_min3A_574 = vector.multi_reduction <minimumf>, %select_n3A_572, %reduce_min3A_573 [0] : vector<640x256xf32> to vector<256xf32>
    %broadcast_in_dim3A_575 = vector.shape_cast %reduce_min3A_574 : vector<256xf32> to vector<1x256xf32>
    %eq3A_576 = vector.broadcast %broadcast_in_dim3A_575 : vector<1x256xf32> to vector<640x256xf32>
    %eq3A_577 = arith.cmpf oeq, %select_n3A_572, %eq3A_576 : vector<640x256xf32>
    %jit3A_578 = arith.constant 1073741824 : i32
    %broadcast_in_dim3A_579 = vector.broadcast %jit3A_578 : i32 to vector<640x256xi32>
    %select_n3A_580 = arith.select %eq3A_577, %get3A_261, %broadcast_in_dim3A_579 : vector<640x256xi1>, vector<640x256xi32>
    %reduce_min3A_581 = arith.constant dense<2147483647> : vector<256xi32>
    %reduce_min3A_582 = vector.multi_reduction <minsi>, %select_n3A_580, %reduce_min3A_581 [0] : vector<640x256xi32> to vector<256xi32>
    %broadcast_in_dim3A_583 = vector.shape_cast %reduce_min3A_582 : vector<256xi32> to vector<1x256xi32>
    %eq3A_584 = arith.constant 14 : i32
    %eq3A_585 = vector.broadcast %eq3A_584 : i32 to vector<32x256xi32>
    %eq3A_586 = arith.cmpi eq, %iota3A_262, %eq3A_585 : vector<32x256xi32>
    %broadcast_in_dim3A_587 = vector.shape_cast %broadcast_in_dim3A_583 : vector<1x256xi32> to vector<1x256xi32>
    %broadcast_in_dim3A_588 = vector.broadcast %broadcast_in_dim3A_587 : vector<1x256xi32> to vector<32x256xi32>
    %select_n3A_589 = arith.select %eq3A_586, %broadcast_in_dim3A_588, %select_n3A_567 : vector<32x256xi1>, vector<32x256xi32>
    %eq3A_590 = vector.broadcast %broadcast_in_dim3A_583 : vector<1x256xi32> to vector<640x256xi32>
    %eq3A_591 = arith.cmpi eq, %get3A_261, %eq3A_590 : vector<640x256xi32>
    %jit3A_592 = arith.constant 0x7F800000 : f32
    %broadcast_in_dim3A_593 = vector.broadcast %jit3A_592 : f32 to vector<640x256xf32>
    %select_n3A_594 = arith.select %eq3A_591, %broadcast_in_dim3A_593, %select_n3A_572 : vector<640x256xi1>, vector<640x256xf32>
    %reduce_min3A_595 = arith.constant dense<0x7F800000> : vector<256xf32>
    %reduce_min3A_596 = vector.multi_reduction <minimumf>, %select_n3A_594, %reduce_min3A_595 [0] : vector<640x256xf32> to vector<256xf32>
    %broadcast_in_dim3A_597 = vector.shape_cast %reduce_min3A_596 : vector<256xf32> to vector<1x256xf32>
    %eq3A_598 = vector.broadcast %broadcast_in_dim3A_597 : vector<1x256xf32> to vector<640x256xf32>
    %eq3A_599 = arith.cmpf oeq, %select_n3A_594, %eq3A_598 : vector<640x256xf32>
    %jit3A_600 = arith.constant 1073741824 : i32
    %broadcast_in_dim3A_601 = vector.broadcast %jit3A_600 : i32 to vector<640x256xi32>
    %select_n3A_602 = arith.select %eq3A_599, %get3A_261, %broadcast_in_dim3A_601 : vector<640x256xi1>, vector<640x256xi32>
    %reduce_min3A_603 = arith.constant dense<2147483647> : vector<256xi32>
    %reduce_min3A_604 = vector.multi_reduction <minsi>, %select_n3A_602, %reduce_min3A_603 [0] : vector<640x256xi32> to vector<256xi32>
    %broadcast_in_dim3A_605 = vector.shape_cast %reduce_min3A_604 : vector<256xi32> to vector<1x256xi32>
    %eq3A_606 = arith.constant 15 : i32
    %eq3A_607 = vector.broadcast %eq3A_606 : i32 to vector<32x256xi32>
    %eq3A_608 = arith.cmpi eq, %iota3A_262, %eq3A_607 : vector<32x256xi32>
    %broadcast_in_dim3A_609 = vector.shape_cast %broadcast_in_dim3A_605 : vector<1x256xi32> to vector<1x256xi32>
    %broadcast_in_dim3A_610 = vector.broadcast %broadcast_in_dim3A_609 : vector<1x256xi32> to vector<32x256xi32>
    %select_n3A_611 = arith.select %eq3A_608, %broadcast_in_dim3A_610, %select_n3A_589 : vector<32x256xi1>, vector<32x256xi32>
    %eq3A_612 = vector.broadcast %broadcast_in_dim3A_605 : vector<1x256xi32> to vector<640x256xi32>
    %eq3A_613 = arith.cmpi eq, %get3A_261, %eq3A_612 : vector<640x256xi32>
    %jit3A_614 = arith.constant 0x7F800000 : f32
    %broadcast_in_dim3A_615 = vector.broadcast %jit3A_614 : f32 to vector<640x256xf32>
    %select_n3A_616 = arith.select %eq3A_613, %broadcast_in_dim3A_615, %select_n3A_594 : vector<640x256xi1>, vector<640x256xf32>
    %reduce_min3A_617 = arith.constant dense<0x7F800000> : vector<256xf32>
    %reduce_min3A_618 = vector.multi_reduction <minimumf>, %select_n3A_616, %reduce_min3A_617 [0] : vector<640x256xf32> to vector<256xf32>
    %broadcast_in_dim3A_619 = vector.shape_cast %reduce_min3A_618 : vector<256xf32> to vector<1x256xf32>
    %eq3A_620 = vector.broadcast %broadcast_in_dim3A_619 : vector<1x256xf32> to vector<640x256xf32>
    %eq3A_621 = arith.cmpf oeq, %select_n3A_616, %eq3A_620 : vector<640x256xf32>
    %jit3A_622 = arith.constant 1073741824 : i32
    %broadcast_in_dim3A_623 = vector.broadcast %jit3A_622 : i32 to vector<640x256xi32>
    %select_n3A_624 = arith.select %eq3A_621, %get3A_261, %broadcast_in_dim3A_623 : vector<640x256xi1>, vector<640x256xi32>
    %reduce_min3A_625 = arith.constant dense<2147483647> : vector<256xi32>
    %reduce_min3A_626 = vector.multi_reduction <minsi>, %select_n3A_624, %reduce_min3A_625 [0] : vector<640x256xi32> to vector<256xi32>
    %broadcast_in_dim3A_627 = vector.shape_cast %reduce_min3A_626 : vector<256xi32> to vector<1x256xi32>
    %eq3A_628 = arith.constant 16 : i32
    %eq3A_629 = vector.broadcast %eq3A_628 : i32 to vector<32x256xi32>
    %eq3A_630 = arith.cmpi eq, %iota3A_262, %eq3A_629 : vector<32x256xi32>
    %broadcast_in_dim3A_631 = vector.shape_cast %broadcast_in_dim3A_627 : vector<1x256xi32> to vector<1x256xi32>
    %broadcast_in_dim3A_632 = vector.broadcast %broadcast_in_dim3A_631 : vector<1x256xi32> to vector<32x256xi32>
    %select_n3A_633 = arith.select %eq3A_630, %broadcast_in_dim3A_632, %select_n3A_611 : vector<32x256xi1>, vector<32x256xi32>
    %eq3A_634 = vector.broadcast %broadcast_in_dim3A_627 : vector<1x256xi32> to vector<640x256xi32>
    %eq3A_635 = arith.cmpi eq, %get3A_261, %eq3A_634 : vector<640x256xi32>
    %jit3A_636 = arith.constant 0x7F800000 : f32
    %broadcast_in_dim3A_637 = vector.broadcast %jit3A_636 : f32 to vector<640x256xf32>
    %select_n3A_638 = arith.select %eq3A_635, %broadcast_in_dim3A_637, %select_n3A_616 : vector<640x256xi1>, vector<640x256xf32>
    %reduce_min3A_639 = arith.constant dense<0x7F800000> : vector<256xf32>
    %reduce_min3A_640 = vector.multi_reduction <minimumf>, %select_n3A_638, %reduce_min3A_639 [0] : vector<640x256xf32> to vector<256xf32>
    %broadcast_in_dim3A_641 = vector.shape_cast %reduce_min3A_640 : vector<256xf32> to vector<1x256xf32>
    %eq3A_642 = vector.broadcast %broadcast_in_dim3A_641 : vector<1x256xf32> to vector<640x256xf32>
    %eq3A_643 = arith.cmpf oeq, %select_n3A_638, %eq3A_642 : vector<640x256xf32>
    %jit3A_644 = arith.constant 1073741824 : i32
    %broadcast_in_dim3A_645 = vector.broadcast %jit3A_644 : i32 to vector<640x256xi32>
    %select_n3A_646 = arith.select %eq3A_643, %get3A_261, %broadcast_in_dim3A_645 : vector<640x256xi1>, vector<640x256xi32>
    %reduce_min3A_647 = arith.constant dense<2147483647> : vector<256xi32>
    %reduce_min3A_648 = vector.multi_reduction <minsi>, %select_n3A_646, %reduce_min3A_647 [0] : vector<640x256xi32> to vector<256xi32>
    %broadcast_in_dim3A_649 = vector.shape_cast %reduce_min3A_648 : vector<256xi32> to vector<1x256xi32>
    %eq3A_650 = arith.constant 17 : i32
    %eq3A_651 = vector.broadcast %eq3A_650 : i32 to vector<32x256xi32>
    %eq3A_652 = arith.cmpi eq, %iota3A_262, %eq3A_651 : vector<32x256xi32>
    %broadcast_in_dim3A_653 = vector.shape_cast %broadcast_in_dim3A_649 : vector<1x256xi32> to vector<1x256xi32>
    %broadcast_in_dim3A_654 = vector.broadcast %broadcast_in_dim3A_653 : vector<1x256xi32> to vector<32x256xi32>
    %select_n3A_655 = arith.select %eq3A_652, %broadcast_in_dim3A_654, %select_n3A_633 : vector<32x256xi1>, vector<32x256xi32>
    %eq3A_656 = vector.broadcast %broadcast_in_dim3A_649 : vector<1x256xi32> to vector<640x256xi32>
    %eq3A_657 = arith.cmpi eq, %get3A_261, %eq3A_656 : vector<640x256xi32>
    %jit3A_658 = arith.constant 0x7F800000 : f32
    %broadcast_in_dim3A_659 = vector.broadcast %jit3A_658 : f32 to vector<640x256xf32>
    %select_n3A_660 = arith.select %eq3A_657, %broadcast_in_dim3A_659, %select_n3A_638 : vector<640x256xi1>, vector<640x256xf32>
    %reduce_min3A_661 = arith.constant dense<0x7F800000> : vector<256xf32>
    %reduce_min3A_662 = vector.multi_reduction <minimumf>, %select_n3A_660, %reduce_min3A_661 [0] : vector<640x256xf32> to vector<256xf32>
    %broadcast_in_dim3A_663 = vector.shape_cast %reduce_min3A_662 : vector<256xf32> to vector<1x256xf32>
    %eq3A_664 = vector.broadcast %broadcast_in_dim3A_663 : vector<1x256xf32> to vector<640x256xf32>
    %eq3A_665 = arith.cmpf oeq, %select_n3A_660, %eq3A_664 : vector<640x256xf32>
    %jit3A_666 = arith.constant 1073741824 : i32
    %broadcast_in_dim3A_667 = vector.broadcast %jit3A_666 : i32 to vector<640x256xi32>
    %select_n3A_668 = arith.select %eq3A_665, %get3A_261, %broadcast_in_dim3A_667 : vector<640x256xi1>, vector<640x256xi32>
    %reduce_min3A_669 = arith.constant dense<2147483647> : vector<256xi32>
    %reduce_min3A_670 = vector.multi_reduction <minsi>, %select_n3A_668, %reduce_min3A_669 [0] : vector<640x256xi32> to vector<256xi32>
    %broadcast_in_dim3A_671 = vector.shape_cast %reduce_min3A_670 : vector<256xi32> to vector<1x256xi32>
    %eq3A_672 = arith.constant 18 : i32
    %eq3A_673 = vector.broadcast %eq3A_672 : i32 to vector<32x256xi32>
    %eq3A_674 = arith.cmpi eq, %iota3A_262, %eq3A_673 : vector<32x256xi32>
    %broadcast_in_dim3A_675 = vector.shape_cast %broadcast_in_dim3A_671 : vector<1x256xi32> to vector<1x256xi32>
    %broadcast_in_dim3A_676 = vector.broadcast %broadcast_in_dim3A_675 : vector<1x256xi32> to vector<32x256xi32>
    %select_n3A_677 = arith.select %eq3A_674, %broadcast_in_dim3A_676, %select_n3A_655 : vector<32x256xi1>, vector<32x256xi32>
    %eq3A_678 = vector.broadcast %broadcast_in_dim3A_671 : vector<1x256xi32> to vector<640x256xi32>
    %eq3A_679 = arith.cmpi eq, %get3A_261, %eq3A_678 : vector<640x256xi32>
    %jit3A_680 = arith.constant 0x7F800000 : f32
    %broadcast_in_dim3A_681 = vector.broadcast %jit3A_680 : f32 to vector<640x256xf32>
    %select_n3A_682 = arith.select %eq3A_679, %broadcast_in_dim3A_681, %select_n3A_660 : vector<640x256xi1>, vector<640x256xf32>
    %reduce_min3A_683 = arith.constant dense<0x7F800000> : vector<256xf32>
    %reduce_min3A_684 = vector.multi_reduction <minimumf>, %select_n3A_682, %reduce_min3A_683 [0] : vector<640x256xf32> to vector<256xf32>
    %broadcast_in_dim3A_685 = vector.shape_cast %reduce_min3A_684 : vector<256xf32> to vector<1x256xf32>
    %eq3A_686 = vector.broadcast %broadcast_in_dim3A_685 : vector<1x256xf32> to vector<640x256xf32>
    %eq3A_687 = arith.cmpf oeq, %select_n3A_682, %eq3A_686 : vector<640x256xf32>
    %jit3A_688 = arith.constant 1073741824 : i32
    %broadcast_in_dim3A_689 = vector.broadcast %jit3A_688 : i32 to vector<640x256xi32>
    %select_n3A_690 = arith.select %eq3A_687, %get3A_261, %broadcast_in_dim3A_689 : vector<640x256xi1>, vector<640x256xi32>
    %reduce_min3A_691 = arith.constant dense<2147483647> : vector<256xi32>
    %reduce_min3A_692 = vector.multi_reduction <minsi>, %select_n3A_690, %reduce_min3A_691 [0] : vector<640x256xi32> to vector<256xi32>
    %broadcast_in_dim3A_693 = vector.shape_cast %reduce_min3A_692 : vector<256xi32> to vector<1x256xi32>
    %eq3A_694 = arith.constant 19 : i32
    %eq3A_695 = vector.broadcast %eq3A_694 : i32 to vector<32x256xi32>
    %eq3A_696 = arith.cmpi eq, %iota3A_262, %eq3A_695 : vector<32x256xi32>
    %broadcast_in_dim3A_697 = vector.shape_cast %broadcast_in_dim3A_693 : vector<1x256xi32> to vector<1x256xi32>
    %broadcast_in_dim3A_698 = vector.broadcast %broadcast_in_dim3A_697 : vector<1x256xi32> to vector<32x256xi32>
    %select_n3A_699 = arith.select %eq3A_696, %broadcast_in_dim3A_698, %select_n3A_677 : vector<32x256xi1>, vector<32x256xi32>
    %eq3A_700 = vector.broadcast %broadcast_in_dim3A_693 : vector<1x256xi32> to vector<640x256xi32>
    %eq3A_701 = arith.cmpi eq, %get3A_261, %eq3A_700 : vector<640x256xi32>
    %jit3A_702 = arith.constant 0x7F800000 : f32
    %broadcast_in_dim3A_703 = vector.broadcast %jit3A_702 : f32 to vector<640x256xf32>
    %select_n3A_704 = arith.select %eq3A_701, %broadcast_in_dim3A_703, %select_n3A_682 : vector<640x256xi1>, vector<640x256xf32>
    %reduce_min3A_705 = arith.constant dense<0x7F800000> : vector<256xf32>
    %reduce_min3A_706 = vector.multi_reduction <minimumf>, %select_n3A_704, %reduce_min3A_705 [0] : vector<640x256xf32> to vector<256xf32>
    %broadcast_in_dim3A_707 = vector.shape_cast %reduce_min3A_706 : vector<256xf32> to vector<1x256xf32>
    %eq3A_708 = vector.broadcast %broadcast_in_dim3A_707 : vector<1x256xf32> to vector<640x256xf32>
    %eq3A_709 = arith.cmpf oeq, %select_n3A_704, %eq3A_708 : vector<640x256xf32>
    %jit3A_710 = arith.constant 1073741824 : i32
    %broadcast_in_dim3A_711 = vector.broadcast %jit3A_710 : i32 to vector<640x256xi32>
    %select_n3A_712 = arith.select %eq3A_709, %get3A_261, %broadcast_in_dim3A_711 : vector<640x256xi1>, vector<640x256xi32>
    %reduce_min3A_713 = arith.constant dense<2147483647> : vector<256xi32>
    %reduce_min3A_714 = vector.multi_reduction <minsi>, %select_n3A_712, %reduce_min3A_713 [0] : vector<640x256xi32> to vector<256xi32>
    %broadcast_in_dim3A_715 = vector.shape_cast %reduce_min3A_714 : vector<256xi32> to vector<1x256xi32>
    %eq3A_716 = arith.constant 20 : i32
    %eq3A_717 = vector.broadcast %eq3A_716 : i32 to vector<32x256xi32>
    %eq3A_718 = arith.cmpi eq, %iota3A_262, %eq3A_717 : vector<32x256xi32>
    %broadcast_in_dim3A_719 = vector.shape_cast %broadcast_in_dim3A_715 : vector<1x256xi32> to vector<1x256xi32>
    %broadcast_in_dim3A_720 = vector.broadcast %broadcast_in_dim3A_719 : vector<1x256xi32> to vector<32x256xi32>
    %select_n3A_721 = arith.select %eq3A_718, %broadcast_in_dim3A_720, %select_n3A_699 : vector<32x256xi1>, vector<32x256xi32>
    %eq3A_722 = vector.broadcast %broadcast_in_dim3A_715 : vector<1x256xi32> to vector<640x256xi32>
    %eq3A_723 = arith.cmpi eq, %get3A_261, %eq3A_722 : vector<640x256xi32>
    %jit3A_724 = arith.constant 0x7F800000 : f32
    %broadcast_in_dim3A_725 = vector.broadcast %jit3A_724 : f32 to vector<640x256xf32>
    %select_n3A_726 = arith.select %eq3A_723, %broadcast_in_dim3A_725, %select_n3A_704 : vector<640x256xi1>, vector<640x256xf32>
    %reduce_min3A_727 = arith.constant dense<0x7F800000> : vector<256xf32>
    %reduce_min3A_728 = vector.multi_reduction <minimumf>, %select_n3A_726, %reduce_min3A_727 [0] : vector<640x256xf32> to vector<256xf32>
    %broadcast_in_dim3A_729 = vector.shape_cast %reduce_min3A_728 : vector<256xf32> to vector<1x256xf32>
    %eq3A_730 = vector.broadcast %broadcast_in_dim3A_729 : vector<1x256xf32> to vector<640x256xf32>
    %eq3A_731 = arith.cmpf oeq, %select_n3A_726, %eq3A_730 : vector<640x256xf32>
    %jit3A_732 = arith.constant 1073741824 : i32
    %broadcast_in_dim3A_733 = vector.broadcast %jit3A_732 : i32 to vector<640x256xi32>
    %select_n3A_734 = arith.select %eq3A_731, %get3A_261, %broadcast_in_dim3A_733 : vector<640x256xi1>, vector<640x256xi32>
    %reduce_min3A_735 = arith.constant dense<2147483647> : vector<256xi32>
    %reduce_min3A_736 = vector.multi_reduction <minsi>, %select_n3A_734, %reduce_min3A_735 [0] : vector<640x256xi32> to vector<256xi32>
    %broadcast_in_dim3A_737 = vector.shape_cast %reduce_min3A_736 : vector<256xi32> to vector<1x256xi32>
    %eq3A_738 = arith.constant 21 : i32
    %eq3A_739 = vector.broadcast %eq3A_738 : i32 to vector<32x256xi32>
    %eq3A_740 = arith.cmpi eq, %iota3A_262, %eq3A_739 : vector<32x256xi32>
    %broadcast_in_dim3A_741 = vector.shape_cast %broadcast_in_dim3A_737 : vector<1x256xi32> to vector<1x256xi32>
    %broadcast_in_dim3A_742 = vector.broadcast %broadcast_in_dim3A_741 : vector<1x256xi32> to vector<32x256xi32>
    %select_n3A_743 = arith.select %eq3A_740, %broadcast_in_dim3A_742, %select_n3A_721 : vector<32x256xi1>, vector<32x256xi32>
    %eq3A_744 = vector.broadcast %broadcast_in_dim3A_737 : vector<1x256xi32> to vector<640x256xi32>
    %eq3A_745 = arith.cmpi eq, %get3A_261, %eq3A_744 : vector<640x256xi32>
    %jit3A_746 = arith.constant 0x7F800000 : f32
    %broadcast_in_dim3A_747 = vector.broadcast %jit3A_746 : f32 to vector<640x256xf32>
    %select_n3A_748 = arith.select %eq3A_745, %broadcast_in_dim3A_747, %select_n3A_726 : vector<640x256xi1>, vector<640x256xf32>
    %reduce_min3A_749 = arith.constant dense<0x7F800000> : vector<256xf32>
    %reduce_min3A_750 = vector.multi_reduction <minimumf>, %select_n3A_748, %reduce_min3A_749 [0] : vector<640x256xf32> to vector<256xf32>
    %broadcast_in_dim3A_751 = vector.shape_cast %reduce_min3A_750 : vector<256xf32> to vector<1x256xf32>
    %eq3A_752 = vector.broadcast %broadcast_in_dim3A_751 : vector<1x256xf32> to vector<640x256xf32>
    %eq3A_753 = arith.cmpf oeq, %select_n3A_748, %eq3A_752 : vector<640x256xf32>
    %jit3A_754 = arith.constant 1073741824 : i32
    %broadcast_in_dim3A_755 = vector.broadcast %jit3A_754 : i32 to vector<640x256xi32>
    %select_n3A_756 = arith.select %eq3A_753, %get3A_261, %broadcast_in_dim3A_755 : vector<640x256xi1>, vector<640x256xi32>
    %reduce_min3A_757 = arith.constant dense<2147483647> : vector<256xi32>
    %reduce_min3A_758 = vector.multi_reduction <minsi>, %select_n3A_756, %reduce_min3A_757 [0] : vector<640x256xi32> to vector<256xi32>
    %broadcast_in_dim3A_759 = vector.shape_cast %reduce_min3A_758 : vector<256xi32> to vector<1x256xi32>
    %eq3A_760 = arith.constant 22 : i32
    %eq3A_761 = vector.broadcast %eq3A_760 : i32 to vector<32x256xi32>
    %eq3A_762 = arith.cmpi eq, %iota3A_262, %eq3A_761 : vector<32x256xi32>
    %broadcast_in_dim3A_763 = vector.shape_cast %broadcast_in_dim3A_759 : vector<1x256xi32> to vector<1x256xi32>
    %broadcast_in_dim3A_764 = vector.broadcast %broadcast_in_dim3A_763 : vector<1x256xi32> to vector<32x256xi32>
    %select_n3A_765 = arith.select %eq3A_762, %broadcast_in_dim3A_764, %select_n3A_743 : vector<32x256xi1>, vector<32x256xi32>
    %eq3A_766 = vector.broadcast %broadcast_in_dim3A_759 : vector<1x256xi32> to vector<640x256xi32>
    %eq3A_767 = arith.cmpi eq, %get3A_261, %eq3A_766 : vector<640x256xi32>
    %jit3A_768 = arith.constant 0x7F800000 : f32
    %broadcast_in_dim3A_769 = vector.broadcast %jit3A_768 : f32 to vector<640x256xf32>
    %select_n3A_770 = arith.select %eq3A_767, %broadcast_in_dim3A_769, %select_n3A_748 : vector<640x256xi1>, vector<640x256xf32>
    %reduce_min3A_771 = arith.constant dense<0x7F800000> : vector<256xf32>
    %reduce_min3A_772 = vector.multi_reduction <minimumf>, %select_n3A_770, %reduce_min3A_771 [0] : vector<640x256xf32> to vector<256xf32>
    %broadcast_in_dim3A_773 = vector.shape_cast %reduce_min3A_772 : vector<256xf32> to vector<1x256xf32>
    %eq3A_774 = vector.broadcast %broadcast_in_dim3A_773 : vector<1x256xf32> to vector<640x256xf32>
    %eq3A_775 = arith.cmpf oeq, %select_n3A_770, %eq3A_774 : vector<640x256xf32>
    %jit3A_776 = arith.constant 1073741824 : i32
    %broadcast_in_dim3A_777 = vector.broadcast %jit3A_776 : i32 to vector<640x256xi32>
    %select_n3A_778 = arith.select %eq3A_775, %get3A_261, %broadcast_in_dim3A_777 : vector<640x256xi1>, vector<640x256xi32>
    %reduce_min3A_779 = arith.constant dense<2147483647> : vector<256xi32>
    %reduce_min3A_780 = vector.multi_reduction <minsi>, %select_n3A_778, %reduce_min3A_779 [0] : vector<640x256xi32> to vector<256xi32>
    %broadcast_in_dim3A_781 = vector.shape_cast %reduce_min3A_780 : vector<256xi32> to vector<1x256xi32>
    %eq3A_782 = arith.constant 23 : i32
    %eq3A_783 = vector.broadcast %eq3A_782 : i32 to vector<32x256xi32>
    %eq3A_784 = arith.cmpi eq, %iota3A_262, %eq3A_783 : vector<32x256xi32>
    %broadcast_in_dim3A_785 = vector.shape_cast %broadcast_in_dim3A_781 : vector<1x256xi32> to vector<1x256xi32>
    %broadcast_in_dim3A_786 = vector.broadcast %broadcast_in_dim3A_785 : vector<1x256xi32> to vector<32x256xi32>
    %select_n3A_787 = arith.select %eq3A_784, %broadcast_in_dim3A_786, %select_n3A_765 : vector<32x256xi1>, vector<32x256xi32>
    %eq3A_788 = vector.broadcast %broadcast_in_dim3A_781 : vector<1x256xi32> to vector<640x256xi32>
    %eq3A_789 = arith.cmpi eq, %get3A_261, %eq3A_788 : vector<640x256xi32>
    %jit3A_790 = arith.constant 0x7F800000 : f32
    %broadcast_in_dim3A_791 = vector.broadcast %jit3A_790 : f32 to vector<640x256xf32>
    %select_n3A_792 = arith.select %eq3A_789, %broadcast_in_dim3A_791, %select_n3A_770 : vector<640x256xi1>, vector<640x256xf32>
    %reduce_min3A_793 = arith.constant dense<0x7F800000> : vector<256xf32>
    %reduce_min3A_794 = vector.multi_reduction <minimumf>, %select_n3A_792, %reduce_min3A_793 [0] : vector<640x256xf32> to vector<256xf32>
    %broadcast_in_dim3A_795 = vector.shape_cast %reduce_min3A_794 : vector<256xf32> to vector<1x256xf32>
    %eq3A_796 = vector.broadcast %broadcast_in_dim3A_795 : vector<1x256xf32> to vector<640x256xf32>
    %eq3A_797 = arith.cmpf oeq, %select_n3A_792, %eq3A_796 : vector<640x256xf32>
    %jit3A_798 = arith.constant 1073741824 : i32
    %broadcast_in_dim3A_799 = vector.broadcast %jit3A_798 : i32 to vector<640x256xi32>
    %select_n3A_800 = arith.select %eq3A_797, %get3A_261, %broadcast_in_dim3A_799 : vector<640x256xi1>, vector<640x256xi32>
    %reduce_min3A_801 = arith.constant dense<2147483647> : vector<256xi32>
    %reduce_min3A_802 = vector.multi_reduction <minsi>, %select_n3A_800, %reduce_min3A_801 [0] : vector<640x256xi32> to vector<256xi32>
    %broadcast_in_dim3A_803 = vector.shape_cast %reduce_min3A_802 : vector<256xi32> to vector<1x256xi32>
    %eq3A_804 = arith.constant 24 : i32
    %eq3A_805 = vector.broadcast %eq3A_804 : i32 to vector<32x256xi32>
    %eq3A_806 = arith.cmpi eq, %iota3A_262, %eq3A_805 : vector<32x256xi32>
    %broadcast_in_dim3A_807 = vector.shape_cast %broadcast_in_dim3A_803 : vector<1x256xi32> to vector<1x256xi32>
    %broadcast_in_dim3A_808 = vector.broadcast %broadcast_in_dim3A_807 : vector<1x256xi32> to vector<32x256xi32>
    %select_n3A_809 = arith.select %eq3A_806, %broadcast_in_dim3A_808, %select_n3A_787 : vector<32x256xi1>, vector<32x256xi32>
    %eq3A_810 = vector.broadcast %broadcast_in_dim3A_803 : vector<1x256xi32> to vector<640x256xi32>
    %eq3A_811 = arith.cmpi eq, %get3A_261, %eq3A_810 : vector<640x256xi32>
    %jit3A_812 = arith.constant 0x7F800000 : f32
    %broadcast_in_dim3A_813 = vector.broadcast %jit3A_812 : f32 to vector<640x256xf32>
    %select_n3A_814 = arith.select %eq3A_811, %broadcast_in_dim3A_813, %select_n3A_792 : vector<640x256xi1>, vector<640x256xf32>
    %reduce_min3A_815 = arith.constant dense<0x7F800000> : vector<256xf32>
    %reduce_min3A_816 = vector.multi_reduction <minimumf>, %select_n3A_814, %reduce_min3A_815 [0] : vector<640x256xf32> to vector<256xf32>
    %broadcast_in_dim3A_817 = vector.shape_cast %reduce_min3A_816 : vector<256xf32> to vector<1x256xf32>
    %eq3A_818 = vector.broadcast %broadcast_in_dim3A_817 : vector<1x256xf32> to vector<640x256xf32>
    %eq3A_819 = arith.cmpf oeq, %select_n3A_814, %eq3A_818 : vector<640x256xf32>
    %jit3A_820 = arith.constant 1073741824 : i32
    %broadcast_in_dim3A_821 = vector.broadcast %jit3A_820 : i32 to vector<640x256xi32>
    %select_n3A_822 = arith.select %eq3A_819, %get3A_261, %broadcast_in_dim3A_821 : vector<640x256xi1>, vector<640x256xi32>
    %reduce_min3A_823 = arith.constant dense<2147483647> : vector<256xi32>
    %reduce_min3A_824 = vector.multi_reduction <minsi>, %select_n3A_822, %reduce_min3A_823 [0] : vector<640x256xi32> to vector<256xi32>
    %broadcast_in_dim3A_825 = vector.shape_cast %reduce_min3A_824 : vector<256xi32> to vector<1x256xi32>
    %eq3A_826 = arith.constant 25 : i32
    %eq3A_827 = vector.broadcast %eq3A_826 : i32 to vector<32x256xi32>
    %eq3A_828 = arith.cmpi eq, %iota3A_262, %eq3A_827 : vector<32x256xi32>
    %broadcast_in_dim3A_829 = vector.shape_cast %broadcast_in_dim3A_825 : vector<1x256xi32> to vector<1x256xi32>
    %broadcast_in_dim3A_830 = vector.broadcast %broadcast_in_dim3A_829 : vector<1x256xi32> to vector<32x256xi32>
    %select_n3A_831 = arith.select %eq3A_828, %broadcast_in_dim3A_830, %select_n3A_809 : vector<32x256xi1>, vector<32x256xi32>
    %eq3A_832 = vector.broadcast %broadcast_in_dim3A_825 : vector<1x256xi32> to vector<640x256xi32>
    %eq3A_833 = arith.cmpi eq, %get3A_261, %eq3A_832 : vector<640x256xi32>
    %jit3A_834 = arith.constant 0x7F800000 : f32
    %broadcast_in_dim3A_835 = vector.broadcast %jit3A_834 : f32 to vector<640x256xf32>
    %select_n3A_836 = arith.select %eq3A_833, %broadcast_in_dim3A_835, %select_n3A_814 : vector<640x256xi1>, vector<640x256xf32>
    %reduce_min3A_837 = arith.constant dense<0x7F800000> : vector<256xf32>
    %reduce_min3A_838 = vector.multi_reduction <minimumf>, %select_n3A_836, %reduce_min3A_837 [0] : vector<640x256xf32> to vector<256xf32>
    %broadcast_in_dim3A_839 = vector.shape_cast %reduce_min3A_838 : vector<256xf32> to vector<1x256xf32>
    %eq3A_840 = vector.broadcast %broadcast_in_dim3A_839 : vector<1x256xf32> to vector<640x256xf32>
    %eq3A_841 = arith.cmpf oeq, %select_n3A_836, %eq3A_840 : vector<640x256xf32>
    %jit3A_842 = arith.constant 1073741824 : i32
    %broadcast_in_dim3A_843 = vector.broadcast %jit3A_842 : i32 to vector<640x256xi32>
    %select_n3A_844 = arith.select %eq3A_841, %get3A_261, %broadcast_in_dim3A_843 : vector<640x256xi1>, vector<640x256xi32>
    %reduce_min3A_845 = arith.constant dense<2147483647> : vector<256xi32>
    %reduce_min3A_846 = vector.multi_reduction <minsi>, %select_n3A_844, %reduce_min3A_845 [0] : vector<640x256xi32> to vector<256xi32>
    %broadcast_in_dim3A_847 = vector.shape_cast %reduce_min3A_846 : vector<256xi32> to vector<1x256xi32>
    %eq3A_848 = arith.constant 26 : i32
    %eq3A_849 = vector.broadcast %eq3A_848 : i32 to vector<32x256xi32>
    %eq3A_850 = arith.cmpi eq, %iota3A_262, %eq3A_849 : vector<32x256xi32>
    %broadcast_in_dim3A_851 = vector.shape_cast %broadcast_in_dim3A_847 : vector<1x256xi32> to vector<1x256xi32>
    %broadcast_in_dim3A_852 = vector.broadcast %broadcast_in_dim3A_851 : vector<1x256xi32> to vector<32x256xi32>
    %select_n3A_853 = arith.select %eq3A_850, %broadcast_in_dim3A_852, %select_n3A_831 : vector<32x256xi1>, vector<32x256xi32>
    %eq3A_854 = vector.broadcast %broadcast_in_dim3A_847 : vector<1x256xi32> to vector<640x256xi32>
    %eq3A_855 = arith.cmpi eq, %get3A_261, %eq3A_854 : vector<640x256xi32>
    %jit3A_856 = arith.constant 0x7F800000 : f32
    %broadcast_in_dim3A_857 = vector.broadcast %jit3A_856 : f32 to vector<640x256xf32>
    %select_n3A_858 = arith.select %eq3A_855, %broadcast_in_dim3A_857, %select_n3A_836 : vector<640x256xi1>, vector<640x256xf32>
    %reduce_min3A_859 = arith.constant dense<0x7F800000> : vector<256xf32>
    %reduce_min3A_860 = vector.multi_reduction <minimumf>, %select_n3A_858, %reduce_min3A_859 [0] : vector<640x256xf32> to vector<256xf32>
    %broadcast_in_dim3A_861 = vector.shape_cast %reduce_min3A_860 : vector<256xf32> to vector<1x256xf32>
    %eq3A_862 = vector.broadcast %broadcast_in_dim3A_861 : vector<1x256xf32> to vector<640x256xf32>
    %eq3A_863 = arith.cmpf oeq, %select_n3A_858, %eq3A_862 : vector<640x256xf32>
    %jit3A_864 = arith.constant 1073741824 : i32
    %broadcast_in_dim3A_865 = vector.broadcast %jit3A_864 : i32 to vector<640x256xi32>
    %select_n3A_866 = arith.select %eq3A_863, %get3A_261, %broadcast_in_dim3A_865 : vector<640x256xi1>, vector<640x256xi32>
    %reduce_min3A_867 = arith.constant dense<2147483647> : vector<256xi32>
    %reduce_min3A_868 = vector.multi_reduction <minsi>, %select_n3A_866, %reduce_min3A_867 [0] : vector<640x256xi32> to vector<256xi32>
    %broadcast_in_dim3A_869 = vector.shape_cast %reduce_min3A_868 : vector<256xi32> to vector<1x256xi32>
    %eq3A_870 = arith.constant 27 : i32
    %eq3A_871 = vector.broadcast %eq3A_870 : i32 to vector<32x256xi32>
    %eq3A_872 = arith.cmpi eq, %iota3A_262, %eq3A_871 : vector<32x256xi32>
    %broadcast_in_dim3A_873 = vector.shape_cast %broadcast_in_dim3A_869 : vector<1x256xi32> to vector<1x256xi32>
    %broadcast_in_dim3A_874 = vector.broadcast %broadcast_in_dim3A_873 : vector<1x256xi32> to vector<32x256xi32>
    %select_n3A_875 = arith.select %eq3A_872, %broadcast_in_dim3A_874, %select_n3A_853 : vector<32x256xi1>, vector<32x256xi32>
    %eq3A_876 = vector.broadcast %broadcast_in_dim3A_869 : vector<1x256xi32> to vector<640x256xi32>
    %eq3A_877 = arith.cmpi eq, %get3A_261, %eq3A_876 : vector<640x256xi32>
    %jit3A_878 = arith.constant 0x7F800000 : f32
    %broadcast_in_dim3A_879 = vector.broadcast %jit3A_878 : f32 to vector<640x256xf32>
    %select_n3A_880 = arith.select %eq3A_877, %broadcast_in_dim3A_879, %select_n3A_858 : vector<640x256xi1>, vector<640x256xf32>
    %reduce_min3A_881 = arith.constant dense<0x7F800000> : vector<256xf32>
    %reduce_min3A_882 = vector.multi_reduction <minimumf>, %select_n3A_880, %reduce_min3A_881 [0] : vector<640x256xf32> to vector<256xf32>
    %broadcast_in_dim3A_883 = vector.shape_cast %reduce_min3A_882 : vector<256xf32> to vector<1x256xf32>
    %eq3A_884 = vector.broadcast %broadcast_in_dim3A_883 : vector<1x256xf32> to vector<640x256xf32>
    %eq3A_885 = arith.cmpf oeq, %select_n3A_880, %eq3A_884 : vector<640x256xf32>
    %jit3A_886 = arith.constant 1073741824 : i32
    %broadcast_in_dim3A_887 = vector.broadcast %jit3A_886 : i32 to vector<640x256xi32>
    %select_n3A_888 = arith.select %eq3A_885, %get3A_261, %broadcast_in_dim3A_887 : vector<640x256xi1>, vector<640x256xi32>
    %reduce_min3A_889 = arith.constant dense<2147483647> : vector<256xi32>
    %reduce_min3A_890 = vector.multi_reduction <minsi>, %select_n3A_888, %reduce_min3A_889 [0] : vector<640x256xi32> to vector<256xi32>
    %broadcast_in_dim3A_891 = vector.shape_cast %reduce_min3A_890 : vector<256xi32> to vector<1x256xi32>
    %eq3A_892 = arith.constant 28 : i32
    %eq3A_893 = vector.broadcast %eq3A_892 : i32 to vector<32x256xi32>
    %eq3A_894 = arith.cmpi eq, %iota3A_262, %eq3A_893 : vector<32x256xi32>
    %broadcast_in_dim3A_895 = vector.shape_cast %broadcast_in_dim3A_891 : vector<1x256xi32> to vector<1x256xi32>
    %broadcast_in_dim3A_896 = vector.broadcast %broadcast_in_dim3A_895 : vector<1x256xi32> to vector<32x256xi32>
    %select_n3A_897 = arith.select %eq3A_894, %broadcast_in_dim3A_896, %select_n3A_875 : vector<32x256xi1>, vector<32x256xi32>
    %eq3A_898 = vector.broadcast %broadcast_in_dim3A_891 : vector<1x256xi32> to vector<640x256xi32>
    %eq3A_899 = arith.cmpi eq, %get3A_261, %eq3A_898 : vector<640x256xi32>
    %jit3A_900 = arith.constant 0x7F800000 : f32
    %broadcast_in_dim3A_901 = vector.broadcast %jit3A_900 : f32 to vector<640x256xf32>
    %select_n3A_902 = arith.select %eq3A_899, %broadcast_in_dim3A_901, %select_n3A_880 : vector<640x256xi1>, vector<640x256xf32>
    %reduce_min3A_903 = arith.constant dense<0x7F800000> : vector<256xf32>
    %reduce_min3A_904 = vector.multi_reduction <minimumf>, %select_n3A_902, %reduce_min3A_903 [0] : vector<640x256xf32> to vector<256xf32>
    %broadcast_in_dim3A_905 = vector.shape_cast %reduce_min3A_904 : vector<256xf32> to vector<1x256xf32>
    %eq3A_906 = vector.broadcast %broadcast_in_dim3A_905 : vector<1x256xf32> to vector<640x256xf32>
    %eq3A_907 = arith.cmpf oeq, %select_n3A_902, %eq3A_906 : vector<640x256xf32>
    %jit3A_908 = arith.constant 1073741824 : i32
    %broadcast_in_dim3A_909 = vector.broadcast %jit3A_908 : i32 to vector<640x256xi32>
    %select_n3A_910 = arith.select %eq3A_907, %get3A_261, %broadcast_in_dim3A_909 : vector<640x256xi1>, vector<640x256xi32>
    %reduce_min3A_911 = arith.constant dense<2147483647> : vector<256xi32>
    %reduce_min3A_912 = vector.multi_reduction <minsi>, %select_n3A_910, %reduce_min3A_911 [0] : vector<640x256xi32> to vector<256xi32>
    %broadcast_in_dim3A_913 = vector.shape_cast %reduce_min3A_912 : vector<256xi32> to vector<1x256xi32>
    %eq3A_914 = arith.constant 29 : i32
    %eq3A_915 = vector.broadcast %eq3A_914 : i32 to vector<32x256xi32>
    %eq3A_916 = arith.cmpi eq, %iota3A_262, %eq3A_915 : vector<32x256xi32>
    %broadcast_in_dim3A_917 = vector.shape_cast %broadcast_in_dim3A_913 : vector<1x256xi32> to vector<1x256xi32>
    %broadcast_in_dim3A_918 = vector.broadcast %broadcast_in_dim3A_917 : vector<1x256xi32> to vector<32x256xi32>
    %select_n3A_919 = arith.select %eq3A_916, %broadcast_in_dim3A_918, %select_n3A_897 : vector<32x256xi1>, vector<32x256xi32>
    %eq3A_920 = vector.broadcast %broadcast_in_dim3A_913 : vector<1x256xi32> to vector<640x256xi32>
    %eq3A_921 = arith.cmpi eq, %get3A_261, %eq3A_920 : vector<640x256xi32>
    %jit3A_922 = arith.constant 0x7F800000 : f32
    %broadcast_in_dim3A_923 = vector.broadcast %jit3A_922 : f32 to vector<640x256xf32>
    %select_n3A_924 = arith.select %eq3A_921, %broadcast_in_dim3A_923, %select_n3A_902 : vector<640x256xi1>, vector<640x256xf32>
    %reduce_min3A_925 = arith.constant dense<0x7F800000> : vector<256xf32>
    %reduce_min3A_926 = vector.multi_reduction <minimumf>, %select_n3A_924, %reduce_min3A_925 [0] : vector<640x256xf32> to vector<256xf32>
    %broadcast_in_dim3A_927 = vector.shape_cast %reduce_min3A_926 : vector<256xf32> to vector<1x256xf32>
    %eq3A_928 = vector.broadcast %broadcast_in_dim3A_927 : vector<1x256xf32> to vector<640x256xf32>
    %eq3A_929 = arith.cmpf oeq, %select_n3A_924, %eq3A_928 : vector<640x256xf32>
    %jit3A_930 = arith.constant 1073741824 : i32
    %broadcast_in_dim3A_931 = vector.broadcast %jit3A_930 : i32 to vector<640x256xi32>
    %select_n3A_932 = arith.select %eq3A_929, %get3A_261, %broadcast_in_dim3A_931 : vector<640x256xi1>, vector<640x256xi32>
    %reduce_min3A_933 = arith.constant dense<2147483647> : vector<256xi32>
    %reduce_min3A_934 = vector.multi_reduction <minsi>, %select_n3A_932, %reduce_min3A_933 [0] : vector<640x256xi32> to vector<256xi32>
    %broadcast_in_dim3A_935 = vector.shape_cast %reduce_min3A_934 : vector<256xi32> to vector<1x256xi32>
    %eq3A_936 = arith.constant 30 : i32
    %eq3A_937 = vector.broadcast %eq3A_936 : i32 to vector<32x256xi32>
    %eq3A_938 = arith.cmpi eq, %iota3A_262, %eq3A_937 : vector<32x256xi32>
    %broadcast_in_dim3A_939 = vector.shape_cast %broadcast_in_dim3A_935 : vector<1x256xi32> to vector<1x256xi32>
    %broadcast_in_dim3A_940 = vector.broadcast %broadcast_in_dim3A_939 : vector<1x256xi32> to vector<32x256xi32>
    %select_n3A_941 = arith.select %eq3A_938, %broadcast_in_dim3A_940, %select_n3A_919 : vector<32x256xi1>, vector<32x256xi32>
    %eq3A_942 = vector.broadcast %broadcast_in_dim3A_935 : vector<1x256xi32> to vector<640x256xi32>
    %eq3A_943 = arith.cmpi eq, %get3A_261, %eq3A_942 : vector<640x256xi32>
    %jit3A_944 = arith.constant 0x7F800000 : f32
    %broadcast_in_dim3A_945 = vector.broadcast %jit3A_944 : f32 to vector<640x256xf32>
    %select_n3A_946 = arith.select %eq3A_943, %broadcast_in_dim3A_945, %select_n3A_924 : vector<640x256xi1>, vector<640x256xf32>
    %reduce_min3A_947 = arith.constant dense<0x7F800000> : vector<256xf32>
    %reduce_min3A_948 = vector.multi_reduction <minimumf>, %select_n3A_946, %reduce_min3A_947 [0] : vector<640x256xf32> to vector<256xf32>
    %broadcast_in_dim3A_949 = vector.shape_cast %reduce_min3A_948 : vector<256xf32> to vector<1x256xf32>
    %eq3A_950 = vector.broadcast %broadcast_in_dim3A_949 : vector<1x256xf32> to vector<640x256xf32>
    %eq3A_951 = arith.cmpf oeq, %select_n3A_946, %eq3A_950 : vector<640x256xf32>
    %jit3A_952 = arith.constant 1073741824 : i32
    %broadcast_in_dim3A_953 = vector.broadcast %jit3A_952 : i32 to vector<640x256xi32>
    %select_n3A_954 = arith.select %eq3A_951, %get3A_261, %broadcast_in_dim3A_953 : vector<640x256xi1>, vector<640x256xi32>
    %reduce_min3A_955 = arith.constant dense<2147483647> : vector<256xi32>
    %reduce_min3A_956 = vector.multi_reduction <minsi>, %select_n3A_954, %reduce_min3A_955 [0] : vector<640x256xi32> to vector<256xi32>
    %broadcast_in_dim3A_957 = vector.shape_cast %reduce_min3A_956 : vector<256xi32> to vector<1x256xi32>
    %eq3A_958 = arith.constant 31 : i32
    %eq3A_959 = vector.broadcast %eq3A_958 : i32 to vector<32x256xi32>
    %eq3A_960 = arith.cmpi eq, %iota3A_262, %eq3A_959 : vector<32x256xi32>
    %broadcast_in_dim3A_961 = vector.shape_cast %broadcast_in_dim3A_957 : vector<1x256xi32> to vector<1x256xi32>
    %broadcast_in_dim3A_962 = vector.broadcast %broadcast_in_dim3A_961 : vector<1x256xi32> to vector<32x256xi32>
    %select_n3A_963 = arith.select %eq3A_960, %broadcast_in_dim3A_962, %select_n3A_941 : vector<32x256xi1>, vector<32x256xi32>
    %transpose3A = tpu.transpose %select_n3A_963, [1, 0] : vector<32x256xi32> -> vector<256x32xi32>
    %mul3A_964 = arith.constant 4096 : i32
    %mul3A_965 = arith.muli %arg0, %mul3A_964 : i32
    %add3A_966 = vector.broadcast %mul3A_965 : i32 to vector<256x32xi32>
    %add3A_967 = arith.addi %transpose3A, %add3A_966 : vector<256x32xi32>
    %swap3A_968 = arith.constant 0 : index
    %swap3A_969 = arith.constant 0 : index
    %swap3A_970 = arith.constant 0 : index
    %swap3A_971 = vector.load %arg4[%swap3A_968, %swap3A_969, %swap3A_970] : memref<1x256x32xi32, #tpu.memory_space<vmem>>, vector<1x256x32xi32>
    %swap3A_972 = vector.shape_cast %swap3A_971 : vector<1x256x32xi32> to vector<256x32xi32>
    %swap3A_973 = vector.shape_cast %add3A_967 : vector<256x32xi32> to vector<1x256x32xi32>
    tpu.vector_store %arg4[%swap3A_968, %swap3A_969, %swap3A_970], %swap3A_973 {strides = array<i32>} : memref<1x256x32xi32, #tpu.memory_space<vmem>>, vector<1x256x32xi32>,
    return
  }
  func.func @transform_0(%arg0: i32, %arg1: i32) -> (i32, i32, i32) {
    %c0_i32 = arith.constant 0 : i32
    %c0_i32_0 = arith.constant 0 : i32
    %c0_i32_1 = arith.constant 0 : i32
    return %arg0, %c0_i32, %c0_i32_0 : i32, i32, i32
  }
  func.func @transform_1(%arg0: i32, %arg1: i32) -> (i32, i32, i32) {
    %c0_i32 = arith.constant 0 : i32
    %c0_i32_0 = arith.constant 0 : i32
    %c0_i32_1 = arith.constant 0 : i32
    return %arg0, %c0_i32, %c0_i32_0 : i32, i32, i32
  }
  func.func @transform_2(%arg0: i32, %arg1: i32) -> (i32, i32, i32) {
    %c0_i32 = arith.constant 0 : i32
    %c0_i32_0 = arith.constant 0 : i32
    return %arg0, %arg1, %c0_i32 : i32, i32, i32
  }
}

module attributes {stable_mosaic.version = 14 : i64} {
  func.func @_mlp_body(%arg0: i32, %arg1: memref<16384x32xf32, #tpu.memory_space<vmem>>, %arg2: memref<1x512x3xf32, #tpu.memory_space<vmem>>, %arg3: memref<32x32xf32, #tpu.memory_space<vmem>>, %arg4: memref<1x32xf32, #tpu.memory_space<vmem>>, %arg5: memref<32x32xf32, #tpu.memory_space<vmem>>, %arg6: memref<1x32xf32, #tpu.memory_space<vmem>>, %arg7: memref<64x32xf32, #tpu.memory_space<vmem>>, %arg8: memref<64x1xf32, #tpu.memory_space<vmem>>, %arg9: memref<1x64x16384xf32, #tpu.memory_space<vmem>>) attributes {dimension_semantics = [#tpu.dimension_semantics<arbitrary>], iteration_bounds = array<i64: 32>, scalar_prefetch = 0 : i64, scratch_operands = 0 : i64, tpu.core_type = #tpu.core_type<tc>, window_params = [{transform_indices = @transform_0, window_bounds = array<i64: 16384, 32>}, {transform_indices = @transform_1, window_bounds = array<i64: 1, 512, 3>}, {pipeline_mode = #tpu.pipeline_mode<synchronous>, transform_indices = @transform_2, window_bounds = array<i64: 32, 32>}, {pipeline_mode = #tpu.pipeline_mode<synchronous>, transform_indices = @transform_3, window_bounds = array<i64: 1, 32>}, {pipeline_mode = #tpu.pipeline_mode<synchronous>, transform_indices = @transform_4, window_bounds = array<i64: 32, 32>}, {pipeline_mode = #tpu.pipeline_mode<synchronous>, transform_indices = @transform_5, window_bounds = array<i64: 1, 32>}, {pipeline_mode = #tpu.pipeline_mode<synchronous>, transform_indices = @transform_6, window_bounds = array<i64: 64, 32>}, {pipeline_mode = #tpu.pipeline_mode<synchronous>, transform_indices = @transform_7, window_bounds = array<i64: 64, 1>}, {transform_indices = @transform_8, window_bounds = array<i64: 1, 64, 16384>}]} {
    %get3A = arith.constant 0 : index
    %get3A_0 = arith.constant 0 : index
    %get3A_1 = vector.load %arg1[%get3A, %get3A_0] : memref<16384x32xf32, #tpu.memory_space<vmem>>, vector<16384x32xf32>
    %get3A_2 = arith.constant 0 : index
    %get3A_3 = arith.constant 0 : index
    %get3A_4 = arith.constant 0 : index
    %get3A_5 = vector.load %arg2[%get3A_2, %get3A_3, %get3A_4] : memref<1x512x3xf32, #tpu.memory_space<vmem>>, vector<1x512x3xf32>
    %get3A_6 = vector.shape_cast %get3A_5 : vector<1x512x3xf32> to vector<512x3xf32>
    %get3A_7 = arith.constant 0 : index
    %get3A_8 = arith.constant 29 : index
    %get3A_9 = vector.load %arg3[%get3A_7, %get3A_8] : memref<32x32xf32, #tpu.memory_space<vmem>>, vector<32x3xf32>
    %dot_general3A = arith.constant dense<0.000000e+00> : vector<512x32xf32>
    %dot_general3A_10 = tpu.matmul %get3A_6, %get3A_9, %dot_general3A {dimension_numbers = #tpu.dot_dimension_numbers<[1], [1], [0], [0], [0, 0, 1, 0], [], []>, transpose_lhs_hint = false} : vector<512x3xf32>, vector<32x3xf32>, vector<512x32xf32> -> vector<512x32xf32>
    %broadcast_in_dim3A = vector.shape_cast %dot_general3A_10 : vector<512x32xf32> to vector<512x1x32xf32>
    %broadcast_in_dim3A_11 = vector.shape_cast %broadcast_in_dim3A : vector<512x1x32xf32> to vector<512x1x32xf32>
    %broadcast_in_dim3A_12 = vector.broadcast %broadcast_in_dim3A_11 : vector<512x1x32xf32> to vector<512x32x32xf32>
    %reshape3A = vector.shape_cast %broadcast_in_dim3A_12 : vector<512x32x32xf32> to vector<16384x32xf32>
    %get3A_13 = arith.constant 0 : index
    %get3A_14 = arith.constant 0 : index
    %get3A_15 = vector.load %arg3[%get3A_13, %get3A_14] : memref<32x32xf32, #tpu.memory_space<vmem>>, vector<32x32xf32>
    %dot_general3A_16 = arith.constant dense<0.000000e+00> : vector<16384x32xf32>
    %dot_general3A_17 = tpu.matmul %get3A_1, %get3A_15, %dot_general3A_16 {dimension_numbers = #tpu.dot_dimension_numbers<[1], [1], [0], [0], [0, 0, 1, 0], [], []>, transpose_lhs_hint = false} : vector<16384x32xf32>, vector<32x32xf32>, vector<16384x32xf32> -> vector<16384x32xf32>
    %sub3A = arith.subf %dot_general3A_17, %reshape3A : vector<16384x32xf32>
    %get3A_18 = arith.constant 0 : index
    %get3A_19 = arith.constant 0 : index
    %get3A_20 = vector.load %arg4[%get3A_18, %get3A_19] : memref<1x32xf32, #tpu.memory_space<vmem>>, vector<1x32xf32>
    %add3A = vector.broadcast %get3A_20 : vector<1x32xf32> to vector<16384x32xf32>
    %add3A_21 = arith.addf %sub3A, %add3A : vector<16384x32xf32>
    %max3A = arith.constant 0.000000e+00 : f32
    %max3A_22 = vector.broadcast %max3A : f32 to vector<16384x32xf32>
    %max3A_23 = arith.maximumf %add3A_21, %max3A_22 : vector<16384x32xf32>
    %get3A_24 = arith.constant 0 : index
    %get3A_25 = arith.constant 0 : index
    %get3A_26 = vector.load %arg5[%get3A_24, %get3A_25] : memref<32x32xf32, #tpu.memory_space<vmem>>, vector<32x32xf32>
    %dot_general3A_27 = arith.constant dense<0.000000e+00> : vector<16384x32xf32>
    %dot_general3A_28 = tpu.matmul %max3A_23, %get3A_26, %dot_general3A_27 {dimension_numbers = #tpu.dot_dimension_numbers<[1], [1], [0], [0], [0, 0, 1, 0], [], []>, transpose_lhs_hint = false} : vector<16384x32xf32>, vector<32x32xf32>, vector<16384x32xf32> -> vector<16384x32xf32>
    %get3A_29 = arith.constant 0 : index
    %get3A_30 = arith.constant 0 : index
    %get3A_31 = vector.load %arg6[%get3A_29, %get3A_30] : memref<1x32xf32, #tpu.memory_space<vmem>>, vector<1x32xf32>
    %add3A_32 = vector.broadcast %get3A_31 : vector<1x32xf32> to vector<16384x32xf32>
    %add3A_33 = arith.addf %dot_general3A_28, %add3A_32 : vector<16384x32xf32>
    %max3A_34 = arith.constant 0.000000e+00 : f32
    %max3A_35 = vector.broadcast %max3A_34 : f32 to vector<16384x32xf32>
    %max3A_36 = arith.maximumf %add3A_33, %max3A_35 : vector<16384x32xf32>
    %get3A_37 = arith.constant 0 : index
    %get3A_38 = arith.constant 0 : index
    %get3A_39 = vector.load %arg7[%get3A_37, %get3A_38] : memref<64x32xf32, #tpu.memory_space<vmem>>, vector<64x32xf32>
    %dot_general3A_40 = arith.constant dense<0.000000e+00> : vector<64x16384xf32>
    %dot_general3A_41 = tpu.matmul %get3A_39, %max3A_36, %dot_general3A_40 {dimension_numbers = #tpu.dot_dimension_numbers<[1], [1], [0], [0], [0, 0, 1, 0], [], []>, transpose_lhs_hint = false} : vector<64x32xf32>, vector<16384x32xf32>, vector<64x16384xf32> -> vector<64x16384xf32>
    %get3A_42 = arith.constant 0 : index
    %get3A_43 = arith.constant 0 : index
    %get3A_44 = vector.load %arg8[%get3A_42, %get3A_43] : memref<64x1xf32, #tpu.memory_space<vmem>>, vector<64x1xf32>
    %add3A_45 = vector.broadcast %get3A_44 : vector<64x1xf32> to vector<64x16384xf32>
    %add3A_46 = arith.addf %dot_general3A_41, %add3A_45 : vector<64x16384xf32>
    %swap3A = arith.constant 0 : index
    %swap3A_47 = arith.constant 0 : index
    %swap3A_48 = arith.constant 0 : index
    %swap3A_49 = vector.load %arg9[%swap3A, %swap3A_47, %swap3A_48] : memref<1x64x16384xf32, #tpu.memory_space<vmem>>, vector<1x64x16384xf32>
    %swap3A_50 = vector.shape_cast %swap3A_49 : vector<1x64x16384xf32> to vector<64x16384xf32>
    %swap3A_51 = vector.shape_cast %add3A_46 : vector<64x16384xf32> to vector<1x64x16384xf32>
    tpu.vector_store %arg9[%swap3A, %swap3A_47, %swap3A_48], %swap3A_51 {strides = array<i32>} : memref<1x64x16384xf32, #tpu.memory_space<vmem>>, vector<1x64x16384xf32>,
    return
  }
  func.func @transform_0(%arg0: i32) -> (i32, i32) {
    %c0_i32 = arith.constant 0 : i32
    %c0_i32_0 = arith.constant 0 : i32
    return %arg0, %c0_i32 : i32, i32
  }
  func.func @transform_1(%arg0: i32) -> (i32, i32, i32) {
    %jit3A = arith.constant 8 : i32
    %div3A = arith.divsi %arg0, %jit3A : i32
    %sign3A = arith.constant 0 : i32
    %sign3A_0 = arith.cmpi sgt, %arg0, %sign3A : i32
    %sign3A_1 = arith.extui %sign3A_0 : i1 to i32
    %sign3A_2 = arith.constant 0 : i32
    %sign3A_3 = arith.cmpi slt, %arg0, %sign3A_2 : i32
    %sign3A_4 = arith.extui %sign3A_3 : i1 to i32
    %sign3A_5 = arith.subi %sign3A_1, %sign3A_4 : i32
    %sign3A_6 = arith.constant 0 : i32
    %sign3A_7 = arith.cmpi sgt, %jit3A, %sign3A_6 : i32
    %sign3A_8 = arith.extui %sign3A_7 : i1 to i32
    %sign3A_9 = arith.constant 0 : i32
    %sign3A_10 = arith.cmpi slt, %jit3A, %sign3A_9 : i32
    %sign3A_11 = arith.extui %sign3A_10 : i1 to i32
    %sign3A_12 = arith.subi %sign3A_8, %sign3A_11 : i32
    %ne3A = arith.cmpi ne, %sign3A_5, %sign3A_12 : i32
    %rem3A = arith.remsi %arg0, %jit3A : i32
    %ne3A_13 = arith.constant 0 : i32
    %ne3A_14 = arith.cmpi ne, %rem3A, %ne3A_13 : i32
    %and3A = arith.andi %ne3A, %ne3A_14 : i1
    %sub3A = arith.constant 1 : i32
    %sub3A_15 = arith.subi %div3A, %sub3A : i32
    %select_n3A = arith.select %and3A, %sub3A_15, %div3A : i32
    %jit3A_16 = arith.constant 8 : i32
    %eq3A = arith.constant 0 : i32
    %eq3A_17 = arith.cmpi eq, %jit3A_16, %eq3A : i32
    %jit3A_18 = arith.constant 1 : i32
    %select_n3A_19 = arith.select %eq3A_17, %jit3A_18, %jit3A_16 : i32
    %rem3A_20 = arith.remsi %arg0, %select_n3A_19 : i32
    %ne3A_21 = arith.constant 0 : i32
    %ne3A_22 = arith.cmpi ne, %rem3A_20, %ne3A_21 : i32
    %lt3A = arith.constant 0 : i32
    %lt3A_23 = arith.cmpi slt, %rem3A_20, %lt3A : i32
    %lt3A_24 = arith.constant 0 : i32
    %lt3A_25 = arith.cmpi slt, %select_n3A_19, %lt3A_24 : i32
    %ne3A_26 = arith.xori %lt3A_23, %lt3A_25 : i1
    %and3A_27 = arith.andi %ne3A_26, %ne3A_22 : i1
    %add3A = arith.addi %rem3A_20, %select_n3A_19 : i32
    %select_n3A_28 = arith.select %and3A_27, %add3A, %rem3A_20 : i32
    %c0_i32 = arith.constant 0 : i32
    %c0_i32_29 = arith.constant 0 : i32
    return %select_n3A, %select_n3A_28, %c0_i32 : i32, i32, i32
  }
  func.func @transform_2(%arg0: i32) -> (i32, i32) {
    %c0_i32 = arith.constant 0 : i32
    %c0_i32_0 = arith.constant 0 : i32
    %c0_i32_1 = arith.constant 0 : i32
    return %c0_i32, %c0_i32_0 : i32, i32
  }
  func.func @transform_3(%arg0: i32) -> (i32, i32) {
    %c0_i32 = arith.constant 0 : i32
    %c0_i32_0 = arith.constant 0 : i32
    %c0_i32_1 = arith.constant 0 : i32
    return %c0_i32, %c0_i32_0 : i32, i32
  }
  func.func @transform_4(%arg0: i32) -> (i32, i32) {
    %c0_i32 = arith.constant 0 : i32
    %c0_i32_0 = arith.constant 0 : i32
    %c0_i32_1 = arith.constant 0 : i32
    return %c0_i32, %c0_i32_0 : i32, i32
  }
  func.func @transform_5(%arg0: i32) -> (i32, i32) {
    %c0_i32 = arith.constant 0 : i32
    %c0_i32_0 = arith.constant 0 : i32
    %c0_i32_1 = arith.constant 0 : i32
    return %c0_i32, %c0_i32_0 : i32, i32
  }
  func.func @transform_6(%arg0: i32) -> (i32, i32) {
    %c0_i32 = arith.constant 0 : i32
    %c0_i32_0 = arith.constant 0 : i32
    %c0_i32_1 = arith.constant 0 : i32
    return %c0_i32, %c0_i32_0 : i32, i32
  }
  func.func @transform_7(%arg0: i32) -> (i32, i32) {
    %c0_i32 = arith.constant 0 : i32
    %c0_i32_0 = arith.constant 0 : i32
    %c0_i32_1 = arith.constant 0 : i32
    return %c0_i32, %c0_i32_0 : i32, i32
  }
  func.func @transform_8(%arg0: i32) -> (i32, i32, i32) {
    %jit3A = arith.constant 8 : i32
    %div3A = arith.divsi %arg0, %jit3A : i32
    %sign3A = arith.constant 0 : i32
    %sign3A_0 = arith.cmpi sgt, %arg0, %sign3A : i32
    %sign3A_1 = arith.extui %sign3A_0 : i1 to i32
    %sign3A_2 = arith.constant 0 : i32
    %sign3A_3 = arith.cmpi slt, %arg0, %sign3A_2 : i32
    %sign3A_4 = arith.extui %sign3A_3 : i1 to i32
    %sign3A_5 = arith.subi %sign3A_1, %sign3A_4 : i32
    %sign3A_6 = arith.constant 0 : i32
    %sign3A_7 = arith.cmpi sgt, %jit3A, %sign3A_6 : i32
    %sign3A_8 = arith.extui %sign3A_7 : i1 to i32
    %sign3A_9 = arith.constant 0 : i32
    %sign3A_10 = arith.cmpi slt, %jit3A, %sign3A_9 : i32
    %sign3A_11 = arith.extui %sign3A_10 : i1 to i32
    %sign3A_12 = arith.subi %sign3A_8, %sign3A_11 : i32
    %ne3A = arith.cmpi ne, %sign3A_5, %sign3A_12 : i32
    %rem3A = arith.remsi %arg0, %jit3A : i32
    %ne3A_13 = arith.constant 0 : i32
    %ne3A_14 = arith.cmpi ne, %rem3A, %ne3A_13 : i32
    %and3A = arith.andi %ne3A, %ne3A_14 : i1
    %sub3A = arith.constant 1 : i32
    %sub3A_15 = arith.subi %div3A, %sub3A : i32
    %select_n3A = arith.select %and3A, %sub3A_15, %div3A : i32
    %jit3A_16 = arith.constant 8 : i32
    %eq3A = arith.constant 0 : i32
    %eq3A_17 = arith.cmpi eq, %jit3A_16, %eq3A : i32
    %jit3A_18 = arith.constant 1 : i32
    %select_n3A_19 = arith.select %eq3A_17, %jit3A_18, %jit3A_16 : i32
    %rem3A_20 = arith.remsi %arg0, %select_n3A_19 : i32
    %ne3A_21 = arith.constant 0 : i32
    %ne3A_22 = arith.cmpi ne, %rem3A_20, %ne3A_21 : i32
    %lt3A = arith.constant 0 : i32
    %lt3A_23 = arith.cmpi slt, %rem3A_20, %lt3A : i32
    %lt3A_24 = arith.constant 0 : i32
    %lt3A_25 = arith.cmpi slt, %select_n3A_19, %lt3A_24 : i32
    %ne3A_26 = arith.xori %lt3A_23, %lt3A_25 : i1
    %and3A_27 = arith.andi %ne3A_26, %ne3A_22 : i1
    %add3A = arith.addi %rem3A_20, %select_n3A_19 : i32
    %select_n3A_28 = arith.select %and3A_27, %add3A, %rem3A_20 : i32
    %c0_i32 = arith.constant 0 : i32
    %c0_i32_29 = arith.constant 0 : i32
    return %select_n3A, %c0_i32, %select_n3A_28 : i32, i32, i32
  }
}

</mosaic_0001>

<sc_bundles>
// kernel: kernel.5.cloned.1.call-start
scs
__scs_entry_jumppad:
0x0: {  	(pc) =	sbr.rel $0x88, $3  }
0x1: {  	(tag) =	ssettag $0x0;
	lr =	simm.s32 $0x1  }
0x2: {  	[smem:$0x3F99] =	sst lr;
	_ =	strace $0xD0000000  }
0x3: {  	_ = 	snop  }
0x4: {  	_ = 	snop  }
0x5: {  	_ = 	snop  }
0x6: {  	_ = 	snop  }
0x7: {  	_ = 	snop  }
__scs_overlays_trampoline_lowered:
0x8: {  	[smem:$0x3FA8] =	sst s0  }
0x9: {  	[smem:$0x3FA9] =	sst s1  }
0xa: {  	[smem:$0x3FAA] =	sst s2  }
0xb: {  	[smem:$0x3FAB] =	sst s3  }
0xc: {  	[smem:$0x3FAC] =	sst s4  }
0xd: {  	[smem:$0x3FAD] =	sst s5  }
0xe: {  	[smem:$0x3FAE] =	sst s6  }
0xf: {  	[smem:$0x3FAF] =	sst s7  }
0x10: {  	[smem:$0x3FB0] =	sst s8  }
0x11: {  	[smem:$0x3FB1] =	sst s9;
	s0 =	simm.s32 @!p0 $0x0  }
0x12: {  	s1 =	sld [smem:$0x3F97];
	s0 =	simm.s32 @p0 $0x1  }
0x13: {  	[smem:$0x3FB2] =	sst s0;
	s0 =	simm.s32 @!p1 $0x0  }
0x14: {  	s2 =	sld [smem:$0x3F96];
	s0 =	simm.s32 @p1 $0x1  }
0x15: {  	[smem:$0x3FB3] =	sst s0;
	s0 =	simm.s32 @!p2 $0x0  }
0x16: {  	s3 =	sld [smem:$0x3FDB];
	s0 =	simm.s32 @p2 $0x1  }
0x17: {  	s4 =	simm.s32 $0x1BF5;
	[smem:$0x3FB5] =	sst s0  }
0x18: {  	s0 =	sld [smem:$0x3F98];
	_ =	swait.ge [sflag:s4], $0x0  }
0x19: {  	s7 =	sld [smem:$0x3F99]  }
0x1a: {  	s8 =	sadd.s32 $0xFFFFE003, lr  }
0x1b: {  	s9 =	sadd.s32 $0xFFFFFEF7, lr;
	s5 =	simm.s32 $0xFFFFFFFF;
	p2 =	slt.u32 s8, $0xFFFFF086  }
0x1c: {  	p1 =	slt.u32 s9, $0xF7A;
	s5 =	simm.s32 @!p2 $0x0  }
0x1d: {  	s5 =	simm.s32 @p1 $0x1;
	p0 =	seq.s32 s7, s2  }
0x1e: {  	s7 =	smul.u32 @!p0 $0xF7A, s2;
	p2 =	seq.s32 @!p0 s5, $0x0  }
0x1f: {  	s9 =	smul.u32 $0xF7A, s1;
	s8 =	simm.s32 @!p0 $0x1BF5;
	p2 =	por !p2, p0  }
0x20: {  	[sflag:s8] =	ssyncset.s32 @!p0 $0xFFFFF086;
	s6 =	sadd.s32 @!p0 s3, s7;
	s7 =	simm.s32 @!p0 $0x108  }
0x21: {  	s3 =	sadd.s32 s3, s9;
	s6 =	sadd.s32 @!p0 $0x88, s6;
	s7 =	simm.s32 @p2 $0x1082  }
0x22: {  	[simem:s7], [sflag:s8] =	dma.local @!p0 [hbm:s6], $0xF7A  }
0x23: {  	s9 =	sor.u32 $0xD0000000, s2;
	s6 =	simm.s32 $0x108;
	_ =	swait.ge @!p0 [sflag:s8], $0x0  }
0x24: {  	s3 =	sadd.s32 $0x88, s3;
	s6 =	simm.s32 @!p1 $0x1082;
	[sflag:s4] =	ssyncset.s32 $0xFFFFF086  }
0x25: {  	[simem:s6], [sflag:s4] =	dma.local [hbm:s3], $0xF7A  }
0x26: {  	[smem:$0x3F99] =	sst s1;
	(tag) =	ssettag s2;
	_ =	strace s9  }
0x27: {  	s1 =	sld [smem:$0x3FA9]  }
0x28: {  	s2 =	sld [smem:$0x3FAA]  }
0x29: {  	s4 =	sld [smem:$0x3FAC]  }
0x2a: {  	p0 =	seq.s32 s5, $0x0;
	s5 =	sld [smem:$0x3FAD]  }
0x2b: {  	s6 =	sld [smem:$0x3FAE]  }
0x2c: {  	s7 =	sld [smem:$0x3FAF]  }
0x2d: {  	s3 =	simm.s32 $0x108;
	s8 =	sld [smem:$0x3FB0]  }
0x2e: {  	s3 =	simm.s32 @!p0 $0x1082;
	s9 =	sld [smem:$0x3FB1]  }
0x2f: {  	lr =	sadd.s32 s0, s3;
	s0 =	sld [smem:$0x3FA8]  }
0x30: {  	s3 =	sld [smem:$0x3FAB]  }
0x31: {  	[smem:$0x3FB4] =	sst s10  }
0x32: {  	s10 =	sld [smem:$0x3FB2];
	_ =	sdelay $0x3  }
0x33: {  	p0 =	seq.s32 s10, $0x1;
	s10 =	sld [smem:$0x3FB4];
	_ =	sdelay $0x3  }
0x34: {  	[smem:$0x3FB4] =	sst s10  }
0x35: {  	s10 =	sld [smem:$0x3FB3];
	_ =	sdelay $0x3  }
0x36: {  	p1 =	seq.s32 s10, $0x1;
	s10 =	sld [smem:$0x3FB4];
	_ =	sdelay $0x3  }
0x37: {  	[smem:$0x3FB4] =	sst s10  }
0x38: {  	s10 =	sld [smem:$0x3FB5]  }
0x39: {  	_ = 	snop;
	(pc) =	sbr.ind lr, $3  }
0x3a: {  	_ = 	snop  }
0x3b: {  	_ = 	snop  }
0x3c: {  	p2 =	seq.s32 s10, $0x1;
	s10 =	sld [smem:$0x3FB4]  }
0x3d: {  	_ =	shalt  }
0x3e: {  	_ =	shalt  }
0x3f: {  	_ =	shalt  }
0x40: {  	_ =	shalt  }
0x41: {  	_ =	shalt  }
0x42: {  	_ =	shalt  }
0x43: {  	_ =	shalt  }
0x44: {  	_ =	shalt  }
0x45: {  	_ =	shalt  }
0x46: {  	_ =	shalt  }
0x47: {  	_ =	shalt  }
0x48: {  	_ =	shalt  }
0x49: {  	_ =	shalt  }
0x4a: {  	_ =	shalt  }
0x4b: {  	_ =	shalt  }
0x4c: {  	_ =	shalt  }
0x4d: {  	_ =	shalt  }
0x4e: {  	_ =	shalt  }
0x4f: {  	_ =	shalt  }
0x50: {  	_ =	shalt  }
0x51: {  	_ =	shalt  }
0x52: {  	_ =	shalt  }
0x53: {  	_ =	shalt  }
0x54: {  	_ =	shalt  }
0x55: {  	_ =	shalt  }
0x56: {  	_ =	shalt  }
0x57: {  	_ =	shalt  }
0x58: {  	_ =	shalt  }
0x59: {  	_ =	shalt  }
0x5a: {  	_ =	shalt  }
0x5b: {  	_ =	shalt  }
0x5c: {  	_ =	shalt  }
0x5d: {  	_ =	shalt  }
0x5e: {  	_ =	shalt  }
0x5f: {  	_ =	shalt  }
0x60: {  	_ =	shalt  }
0x61: {  	_ =	shalt  }
0x62: {  	_ =	shalt  }
0x63: {  	_ =	shalt  }
0x64: {  	_ =	shalt  }
0x65: {  	_ =	shalt  }
0x66: {  	_ =	shalt  }
0x67: {  	_ =	shalt  }
0x68: {  	_ =	shalt  }
0x69: {  	_ =	shalt  }
0x6a: {  	_ =	shalt  }
0x6b: {  	_ =	shalt  }
0x6c: {  	_ =	shalt  }
0x6d: {  	_ =	shalt  }
0x6e: {  	_ =	shalt  }
0x6f: {  	_ =	shalt  }
0x70: {  	_ =	shalt  }
0x71: {  	_ =	shalt  }
0x72: {  	_ =	shalt  }
0x73: {  	_ =	shalt  }
0x74: {  	_ =	shalt  }
0x75: {  	_ =	shalt  }
0x76: {  	_ =	shalt  }
0x77: {  	_ =	shalt  }
0x78: {  	_ =	shalt  }
0x79: {  	_ =	shalt  }
0x7a: {  	_ =	shalt  }
0x7b: {  	_ =	shalt  }
0x7c: {  	_ =	shalt  }
0x7d: {  	_ =	shalt  }
0x7e: {  	_ =	shalt  }
0x7f: {  	_ =	shalt  }
0x80: {  	_ =	shalt  }
0x81: {  	_ =	shalt  }
0x82: {  	_ =	shalt  }
0x83: {  	_ =	shalt  }
0x84: {  	_ =	shalt  }
0x85: {  	_ =	shalt  }
0x86: {  	_ =	shalt  }
0x87: {  	_ =	shalt  }
.Lfunc_end0:
.L_simem_size_0:
called_computation.1_lowered:
.L_overlay_start_0:
0x88: {  	s2 =	sld [smem:$0x3FD9]  }
0x89: {  	s3 =	sld [smem:$0x3FFE];
	_ =	sdelay $0x1  }
0x8a: {  	s1 =	srdreg.scid  }
0x8b: {  	s0 =	sand.u32 $0x1, s1  }
0x8c: {  	s17 =	sshll.u32 s0, $0xA;
	s2 =	sadd.s32 s3, s2  }
0x8d: {  	s2 =	sadd.s32 s2, s17  }
0x8e: {  	[smem:$0x3FC0] =	sst s2  }
0x8f: {  	_ = 	snop  }
0x90: {  	s2 =	sld [smem:$0x3FD0];
	(tm) =	ssettm $0x1  }
0x91: {  	s18 =	sld [smem:$0x3FFB];
	_ =	sdelay $0x3  }
0x92: {  	_ =	strace s18  }
0x93: {  	s3 =	sld [smem:$0x3FFC];
	_ =	sdelay $0x3  }
0x94: {  	_ =	strace s3  }
0x95: {  	s3 =	sld [smem:$0x3FFD];
	_ =	sdelay $0x3  }
0x96: {  	_ =	strace s3  }
0x97: {  	_ =	strace $0x8FFFFFFF  }
0x98: {  	s19 =	sld [smem:$0x3FDB];
	_ =	sdelay $0x1  }
0x99: {  	s4 =	simm.s32 $_scs_section_size  }
0x9a: {  	s5 =	simm.s32 $_size__tile_overlayer_lowered;
	s6 =	simm.s32 $_tile_overlayer_lowered  }
0x9b: {  	s22 =	simm.s32 $0x1BFF;
	s21 =	sshll.u32 s6, $0x1;
	s3 =	sadd.s32 s4, s19  }
0x9c: {  	s7 =	simm.s32 $0x0;
	s20 =	sshll.u32 s5, $0x1;
	s5 =	sadd.s32 s21, s3  }
0x9d: {  	[timem:s7], [sflag:s22] =	dma.local [hbm:s5], s20  }
0x9e: {  	_ =	swait.ge [sflag:s22], s20  }
0x9f: {  	s4 =	ssub.s32 $0x0, s20;
	[sflag:s22] =	ssyncset.done $0x0  }
0xa0: {  	[sflag:s22] =	ssyncadd.s32 s4;
	_ =	sdelay $0x1  }
0xa1: {  	s23 =	simm.s32 $0x1B8B  }
0xa2: {  	_ =	swait.ge [sflag:s23], $0x1  }
0xa3: {  	[sflag:s23] =	ssyncset.done $0x0  }
0xa4: {  	s25 =	simm.s32 $0x1B8E;
	s24 =	sld [smem:$0x3FFE];
	[sflag:s23] =	ssyncadd.s32 $0xFFFFFFFF  }
0xa5: {  	s26 =	simm.s32 $execute0_lowered;
	[smem:$0x3FD2] =	sst s25  }
0xa6: {  	s5 =	sshll.u32 s26, $0x1;
	_ =	strace $0x80000046;
	[dreg:$0x1] =	wrdreg $0xFFFFFFFF  }
0xa7: {  	s28 =	simm.s32 $_size_execute0_lowered;
	s3 =	sadd.s32 s3, s5;
	[dreg:$0x0] =	wrdreg $0x0  }
0xa8: {  	s5 =	sshll.u32 s28, $0x1;
	[dreg:$0x2] =	wrdreg s3  }
0xa9: {  	[dreg:$0x3] =	wrdreg s5  }
0xaa: {  	[dreg:$0x4] =	wrdreg $0xC0  }
0xab: {  	_ =	task [dreg:s7], $0x5FFFF  }
0xac: {  	[dreg:$0x1] =	wrdreg $0xFFFFFFFF  }
0xad: {  	[dreg:$0x0] =	wrdreg $0x60  }
0xae: {  	[dreg:$0x2] =	wrdreg s24  }
0xaf: {  	[dreg:$0x3] =	wrdreg s2  }
0xb0: {  	[dreg:$0x4] =	wrdreg $0x9  }
0xb1: {  	_ =	task.clear_ibuf [dreg:s7], $0x5FFFF;
	_ =	strace $0x90000046  }
0xb2: {  	s29 =	simm.s32 $0x9;
	_ =	strace $0x80000048  }
0xb3: {  	_ =	swait.ge [sflag:s29], $0x1  }
0xb4: {  	[sflag:s29] =	ssyncadd.s32 $0xFFFFFFFF  }
0xb5: {  	_ =	strace $0x90000048  }
0xb6: {  	_ =	sfence  }
0xb7: {  	s30 =	sld [smem:$0x0];
	_ =	sdelay $0x2  }
0xb8: {  	s31 =	sshll.u32 s1, $0xD;
	s1 =	sshrl.u32 s1, $0x2  }
0xb9: {  	s3 =	sand.u32 $0x4000, s31;
	s1 =	sadd.s32 s1, s30  }
0xba: {  	s0 =	sor.u32 s3, s0;
	s1 =	sshll.u32 s1, $0x11  }
0xbb: {  	s0 =	sor.u32 s1, s0  }
0xbc: {  	s0 =	sadd.s32 $0x8F2B, s0  }
0xbd: {  	[sflag:s0] =	ssyncadd.remote.s32 $0x1  }
0xbe: {  	_ =	sfence.sel $0xFFFF  }
0xbf: {  	[dreg:$0x0] =	wrdreg $0xFFFFFFFF;
	(pc) =	sbr.abs _section_cstart, $3  }
0xc0: {  	[dreg:$0x1] =	wrdreg $0xFFFFFFFF  }
0xc1: {  	_ =	task.clear_ibuf [dreg:s7], $0x2FFFF;
	_ =	strace $0x9FFFFFFF  }
0xc2: {  	(tm) =	ssettm $0x7FFFFFFF  }
0xc3: {  	_ =	shalt  }
tec
execute0_lowered:
.L_overlay_start_1:
0x0: {  	(tag) =	ssettag $0x1  }
0x1: {  	s4 =	rddreg [dreg:$0x0]  }
0x2: {  	s8 =	rddreg [dreg:$0x1]  }
0x3: {  	s0 =	rddreg [dreg:$0x2]  }
0x4: {  	s3 =	srdreg.scid;
	s2 =	simm.s32 $0x0;
	s1 =	stileid.u32  }
0x5: {  	s11 =	simm.s32 $0x4000;
	s12 =	simm.s32 $0x5000;
	s13 =	simm.s32 $0x1  }
0x6: {  	s14 =	simm.s32 $0x2;
	s15 =	simm.s32 $0x3F80;
	s16 =	simm.s32 $0x0  }
0x7: {  	s9 =	sand.u32 $0x1, s3;
	[smem:$0x7FF] =	sst s2;
	s29 =	sshll.u32 s1, $0xF  }
0x8: {  	s3 =	sadd.s32 $0x41A00, s4;
	s10 =	sshll.u32 s1, $0x11;
	s5 =	sshll.u32 s9, $0xE  }
0x9: {  	_ =	strace $0x80000047;
	s7 =	ssub.s32 $0x2, s9;
	s5 =	sor.u32 s5, s29  }
0xa: {  	s9 =	sshll.u32 s9, $0x10;
	s30 =	sshrl.u32 s7, $0x1;
	s6 =	sshrl.u32 s5, $0x3  }
0xb: {  	s5 =	sshll.u32 s5, $0x2;
	s4 =	sadd.s32 s6, s4;
	s6 =	ssub.s32 s7, s30  }
0xc: {  	s31 =	sadd.s32 s8, s5;
	s8 =	sadd.s32 s10, s8;
	s10 =	simm.s32 $0x80  }
0xd: {  	s4 =	sadd.s32 $0x51A00, s4;
	s5 =	smax.u32 s6, $0x1;
	s6 =	sadd.s32 $0xFC00, s31  }
0xe: {  	s7 =	sadd.s32 $0xFE00, s31;
	s8 =	sadd.s32 s9, s8;
	s9 =	simm.s32 $0x3  }
.LBB2_1:
0xf: {  	[tilespmem:s2], [sflag:$0x3] =	stream.linear.gather [hbm4b:s4+s2], $0x4000, $0x38;
	[tilespmem:$0x6000] =	vst v63  }
0x10: {  	_ =	swait.ge [sflag:s9], $0x4000  }
0x11: {  	[sflag:s9] =	ssyncset.done $0x0  }
0x12: {  	[sflag:s9] =	ssyncadd.s32 $0xFFFFC000  }
0x13: {  	[tilespmem:s11], [sflag:$0x1] =	stream.indirect.gather [hbm4b:s3+s10], $0x20, s2, s10, $0xb8;
	[tilespmem:$0x6000] =	vst v63  }
0x14: {  	s17 =	simm.s32 $0x80  }
0x15: {  	[tilespmem:s12], [sflag:$0x2] =	stream.indirect.gather [hbm4b:s3+s10], $0x20, s17, s10, $0xb8;
	[tilespmem:$0x6000] =	vst v63  }
0x16: {  	_ =	swait.ge [sflag:s13], $0x1000  }
0x17: {  	[sflag:s13] =	ssyncset.done $0x0  }
0x18: {  	s31 =	sadd.s32 $0x0, s8;
	[sflag:s13] =	ssyncadd.s32 $0xFFFFF000  }
0x19: {  	[hbm4b:s31+s2] =	stream.linear.scatter [tilespmem:s11], [sflag:$0x3], $0x1000, $0x38;
	[tilespmem:$0x6000] =	vst v63  }
0x1a: {  	_ =	swait.ge [sflag:s9], $0x1000  }
0x1b: {  	[sflag:s9] =	ssyncset.done $0x0  }
0x1c: {  	s18 =	simm.s32 $0x100;
	[sflag:s9] =	ssyncadd.s32 $0xFFFFF000  }
0x1d: {  	[tilespmem:s11], [sflag:$0x1] =	stream.indirect.gather [hbm4b:s3+s10], $0x20, s18, s10, $0xb8;
	[tilespmem:$0x6000] =	vst v63  }
0x1e: {  	_ =	swait.ge [sflag:s14], $0x1000  }
0x1f: {  	[sflag:s14] =	ssyncset.done $0x0  }
0x20: {  	s17 =	sadd.s32 $0x200, s31;
	[sflag:s14] =	ssyncadd.s32 $0xFFFFF000  }
0x21: {  	[hbm4b:s17+s2] =	stream.linear.scatter [tilespmem:s12], [sflag:$0x3], $0x1000, $0x38;
	[tilespmem:$0x6000] =	vst v63  }
0x22: {  	s19 =	simm.s32 $0x800;
	_ =	swait.ge [sflag:s9], $0x1000  }
0x23: {  	s18 =	simm.s32 $0x100;
	s17 =	simm.s32 $0x400;
	[sflag:s9] =	ssyncset.done $0x0  }
.LBB2_2:
0x24: {  	s20 =	sadd.s32 $0x80, s18  }
0x25: {  	[sflag:s9] =	ssyncadd.s32 $0xFFFFF000;
	s21 =	smov.u32 s19;
	s22 =	sadd.s32 $0x400, s19  }
0x26: {  	[tilespmem:s12], [sflag:$0x2] =	stream.indirect.gather [hbm4b:s3+s10], $0x20, s20, s10, $0xb8;
	[tilespmem:$0x6000] =	vst v63  }
0x27: {  	p0 =	sne.s32 s19, $0xF800;
	_ =	swait.ge [sflag:s13], $0x1000  }
0x28: {  	[sflag:s13] =	ssyncset.done $0x0  }
0x29: {  	s19 =	sadd.s32 s17, s8;
	s17 =	smov.u32 s21;
	[sflag:s13] =	ssyncadd.s32 $0xFFFFF000  }
0x2a: {  	[hbm4b:s19+s2] =	stream.linear.scatter [tilespmem:s11], [sflag:$0x3], $0x1000, $0x38;
	[tilespmem:$0x6000] =	vst v63  }
0x2b: {  	_ =	swait.ge [sflag:s9], $0x1000  }
0x2c: {  	[sflag:s9] =	ssyncset.done $0x0  }
0x2d: {  	s18 =	sadd.s32 $0x100, s18;
	[sflag:s9] =	ssyncadd.s32 $0xFFFFF000  }
0x2e: {  	[tilespmem:s11], [sflag:$0x1] =	stream.indirect.gather [hbm4b:s3+s10], $0x20, s18, s10, $0xb8;
	[tilespmem:$0x6000] =	vst v63  }
0x2f: {  	_ =	swait.ge [sflag:s14], $0x1000  }
.Ltmp0:
0x30: {  	[sflag:s14] =	ssyncset.done $0x0;
	(pc) =	sbr.rel @p0 .LBB2_2-.Ltmp0, $4  }
0x31: {  	s18 =	sadd.s32 $0x200, s19;
	[sflag:s14] =	ssyncadd.s32 $0xFFFFF000  }
0x32: {  	[hbm4b:s18+s2] =	stream.linear.scatter [tilespmem:s12], [sflag:$0x3], $0x1000, $0x38;
	[tilespmem:$0x6000] =	vst v63  }
0x33: {  	_ =	swait.ge [sflag:s9], $0x1000  }
0x34: {  	s19 =	smov.u32 s22;
	s18 =	sshra.s32 s17, $0x2;
	[sflag:s9] =	ssyncset.done $0x0  }
0x35: {  	s19 =	sadd.s32 $0x80, s18;
	[sflag:s9] =	ssyncadd.s32 $0xFFFFF000  }
0x36: {  	[tilespmem:s12], [sflag:$0x2] =	stream.indirect.gather [hbm4b:s3+s10], $0x20, s19, s10, $0xb8;
	[tilespmem:$0x6000] =	vst v63  }
0x37: {  	_ =	swait.ge [sflag:s13], $0x1000  }
0x38: {  	[sflag:s13] =	ssyncset.done $0x0  }
0x39: {  	s17 =	sadd.s32 s17, s8;
	[sflag:s13] =	ssyncadd.s32 $0xFFFFF000  }
0x3a: {  	[hbm4b:s17+s2] =	stream.linear.scatter [tilespmem:s11], [sflag:$0x3], $0x1000, $0x38;
	[tilespmem:$0x6000] =	vst v63  }
0x3b: {  	_ =	swait.ge [sflag:s9], $0x1000  }
0x3c: {  	[sflag:s9] =	ssyncset.done $0x0  }
0x3d: {  	s31 =	sadd.s32 $0x100, s18;
	[sflag:s9] =	ssyncadd.s32 $0xFFFFF000  }
0x3e: {  	[tilespmem:s11], [sflag:$0x1] =	stream.indirect.gather [hbm4b:s3+s10], $0x20, s31, s10, $0xb8;
	[tilespmem:$0x6000] =	vst v63  }
0x3f: {  	_ =	swait.ge [sflag:s14], $0x1000  }
0x40: {  	[sflag:s14] =	ssyncset.done $0x0  }
0x41: {  	s17 =	sadd.s32 $0x200, s17;
	[sflag:s14] =	ssyncadd.s32 $0xFFFFF000  }
0x42: {  	[hbm4b:s17+s2] =	stream.linear.scatter [tilespmem:s12], [sflag:$0x3], $0x1000, $0x38;
	[tilespmem:$0x6000] =	vst v63  }
0x43: {  	_ =	swait.ge [sflag:s9], $0x1000  }
0x44: {  	[sflag:s9] =	ssyncset.done $0x0  }
0x45: {  	[sflag:s9] =	ssyncadd.s32 $0xFFFFF000  }
0x46: {  	[tilespmem:s12], [sflag:$0x2] =	stream.indirect.gather [hbm4b:s3+s10], $0x20, s15, s10, $0xb8;
	[tilespmem:$0x6000] =	vst v63  }
0x47: {  	_ =	swait.ge [sflag:s13], $0x1000  }
0x48: {  	[sflag:s13] =	ssyncset.done $0x0  }
0x49: {  	[sflag:s13] =	ssyncadd.s32 $0xFFFFF000  }
0x4a: {  	[hbm4b:s6+s2] =	stream.linear.scatter [tilespmem:s11], [sflag:$0x3], $0x1000, $0x38;
	[tilespmem:$0x6000] =	vst v63  }
0x4b: {  	_ =	swait.ge [sflag:s9], $0x1000  }
0x4c: {  	[sflag:s9] =	ssyncset.done $0x0  }
0x4d: {  	[sflag:s9] =	ssyncadd.s32 $0xFFFFF000  }
0x4e: {  	s16 =	sadd.s32 $0x1, s16;
	_ =	swait.ge [sflag:s14], $0x1000  }
0x4f: {  	p0 =	sne.s32 s16, s5;
	[sflag:s14] =	ssyncset.done $0x0  }
.Ltmp1:
0x50: {  	[sflag:s14] =	ssyncadd.s32 $0xFFFFF000;
	(pc) =	sbr.rel @p0 .LBB2_1-.Ltmp1, $4  }
0x51: {  	[hbm4b:s7+s2] =	stream.linear.scatter [tilespmem:s12], [sflag:$0x3], $0x1000, $0x38;
	[tilespmem:$0x6000] =	vst v63  }
0x52: {  	_ =	swait.ge [sflag:s9], $0x1000  }
0x53: {  	[sflag:s9] =	ssyncset.done $0x0  }
0x54: {  	[sflag:s9] =	ssyncadd.s32 $0xFFFFF000  }
0x55: {  	_ =	sfence.sel $0x180000  }
0x56: {  	[bflag:$0x0] =	sbarrier.arrive $0xFFFF  }
0x57: {  	p0 =	sne.s32 s1, $0x0;
	_ =	strace $0x90000047  }
0x58: {  	s0 =	sadd.s32 @!p0 $0x100000, s0;
	[bflag:$0x2] =	sbarrier.arrive $0xFFFF  }
0x59: {  	[sflag:s0] =	ssyncadd.tile.s32 @!p0 $0x1;
	_ =	shalt  }
.Lfunc_end2:
_tile_overlayer_lowered:
.L_overlay_start_2:
0x5a: {  	(tag) =	ssettag $0x2  }
0x5b: {  	s0 =	rddreg [dreg:$0x0];
	s2 =	stileid.u32  }
0x5c: {  	s1 =	rddreg [dreg:$0x1];
	p0 =	sne.s32 s2, $0x0  }
0x5d: {  	s3 =	rddreg [dreg:$0x2];
	[bflag:$0x3] =	sbarrier.arrive $0xFFFF;
	s2 =	simm.s32 @!p0 $0x1C03  }
0x5e: {  	[timem:s3], [sflag:s2] =	dma.local @!p0 [hbm:s0], s1  }
0x5f: {  	s0 =	simm.s32 @!p0 $0x3  }
0x60: {  	_ =	swait.ge @!p0 [sflag:s0], s1  }
0x61: {  	s1 =	ssub.s32 @!p0 $0x0, s1;
	[sflag:s0] =	ssyncset.done @!p0 $0x0  }
0x62: {  	[sflag:s0] =	ssyncadd.s32 @!p0 s1  }
0x63: {  	[bflag:$0x3] =	sbarrier.arrive $0xFFFF  }
0x64: {  	_ =	shalt  }

// kernel: sparse-core-data-format-call.cloned.1.call-start
scs
called_computation_lowered:
.L_overlay_start_0:
0x0: {  	s2 =	sld [smem:$0x3FD9]  }
0x1: {  	s3 =	sld [smem:$0x3FFE];
	_ =	sdelay $0x1  }
0x2: {  	s1 =	srdreg.scid  }
0x3: {  	s0 =	sand.u32 $0x1, s1  }
0x4: {  	s18 =	sshll.u32 s0, $0xA;
	s2 =	sadd.s32 s3, s2  }
0x5: {  	s2 =	sadd.s32 s2, s18  }
0x6: {  	[smem:$0x3FC0] =	sst s2  }
0x7: {  	_ = 	snop  }
0x8: {  	s2 =	sld [smem:$0x3FD0];
	(tm) =	ssettm $0x1  }
0x9: {  	s19 =	sld [smem:$0x3FFB];
	_ =	sdelay $0x3  }
0xa: {  	_ =	strace s19  }
0xb: {  	s3 =	sld [smem:$0x3FFC];
	_ =	sdelay $0x3  }
0xc: {  	_ =	strace s3  }
0xd: {  	s3 =	sld [smem:$0x3FFD];
	_ =	sdelay $0x3  }
0xe: {  	_ =	strace s3  }
0xf: {  	_ =	strace $0x8FFFFFFF  }
0x10: {  	s20 =	sld [smem:$0x3FDB];
	_ =	sdelay $0x1  }
0x11: {  	s4 =	simm.s32 $_scs_section_size  }
0x12: {  	s5 =	simm.s32 $_size__tile_overlayer_lowered;
	s6 =	simm.s32 $_tile_overlayer_lowered  }
0x13: {  	s23 =	simm.s32 $0x1BFF;
	s22 =	sshll.u32 s6, $0x1;
	s3 =	sadd.s32 s4, s20  }
0x14: {  	s7 =	simm.s32 $0x0;
	s21 =	sshll.u32 s5, $0x1;
	s5 =	sadd.s32 s22, s3  }
0x15: {  	[timem:s7], [sflag:s23] =	dma.local [hbm:s5], s21  }
0x16: {  	_ =	swait.ge [sflag:s23], s21  }
0x17: {  	s4 =	ssub.s32 $0x0, s21;
	[sflag:s23] =	ssyncset.done $0x0  }
0x18: {  	[sflag:s23] =	ssyncadd.s32 s4;
	_ =	sdelay $0x1  }
0x19: {  	s24 =	simm.s32 $0x1B8B  }
0x1a: {  	_ =	swait.ge [sflag:s24], $0x1  }
0x1b: {  	[sflag:s24] =	ssyncset.done $0x0  }
0x1c: {  	s26 =	simm.s32 $0x1B8E;
	s25 =	sld [smem:$0x3FFE];
	[sflag:s24] =	ssyncadd.s32 $0xFFFFFFFF  }
0x1d: {  	s27 =	simm.s32 $execute0_lowered;
	[smem:$0x3FD2] =	sst s26  }
0x1e: {  	s5 =	sshll.u32 s27, $0x1;
	_ =	strace $0x80000049;
	[dreg:$0x1] =	wrdreg $0xFFFFFFFF  }
0x1f: {  	s28 =	simm.s32 $_size_execute0_lowered;
	s3 =	sadd.s32 s3, s5;
	[dreg:$0x0] =	wrdreg $0x0  }
0x20: {  	s5 =	sshll.u32 s28, $0x1;
	[dreg:$0x2] =	wrdreg s3  }
0x21: {  	[dreg:$0x3] =	wrdreg s5  }
0x22: {  	[dreg:$0x4] =	wrdreg $0xC0  }
0x23: {  	_ =	task [dreg:s7], $0x5FFFF  }
0x24: {  	[dreg:$0x1] =	wrdreg $0xFFFFFFFF  }
0x25: {  	[dreg:$0x0] =	wrdreg $0x60  }
0x26: {  	[dreg:$0x2] =	wrdreg s25  }
0x27: {  	[dreg:$0x3] =	wrdreg s2  }
0x28: {  	[dreg:$0x4] =	wrdreg $0x9  }
0x29: {  	_ =	task.clear_ibuf [dreg:s7], $0x5FFFF;
	_ =	strace $0x90000049  }
0x2a: {  	s29 =	simm.s32 $0x9;
	_ =	strace $0x8000004B  }
0x2b: {  	_ =	swait.ge [sflag:s29], $0x1  }
0x2c: {  	[sflag:s29] =	ssyncadd.s32 $0xFFFFFFFF  }
0x2d: {  	_ =	strace $0x9000004B  }
0x2e: {  	_ =	sfence  }
0x2f: {  	s30 =	sld [smem:$0x0];
	_ =	sdelay $0x2  }
0x30: {  	s31 =	sshll.u32 s1, $0xD;
	s1 =	sshrl.u32 s1, $0x2  }
0x31: {  	s3 =	sand.u32 $0x4000, s31;
	s1 =	sadd.s32 s1, s30  }
0x32: {  	s0 =	sor.u32 s3, s0;
	s1 =	sshll.u32 s1, $0x11  }
0x33: {  	s0 =	sor.u32 s1, s0  }
0x34: {  	s0 =	sadd.s32 $0x8F2B, s0  }
0x35: {  	[sflag:s0] =	ssyncadd.remote.s32 $0x1  }
0x36: {  	_ =	sfence.sel $0xFFFF  }
0x37: {  	[dreg:$0x0] =	wrdreg $0xFFFFFFFF;
	(pc) =	sbr.abs _section_cstart, $3  }
0x38: {  	[dreg:$0x1] =	wrdreg $0xFFFFFFFF  }
0x39: {  	_ =	task.clear_ibuf [dreg:s7], $0x2FFFF;
	_ =	strace $0x9FFFFFFF  }
0x3a: {  	(tm) =	ssettm $0x7FFFFFFF  }
0x3b: {  	_ =	shalt  }
tec
execute0_lowered:
.L_overlay_start_1:
0x0: {  	(tag) =	ssettag $0x1  }
0x1: {  	s0 =	stileid.u32;
	s8 =	rddreg [dreg:$0x0]  }
0x2: {  	s1 =	srdreg.scid;
	s4 =	rddreg [dreg:$0x1]  }
0x3: {  	s31 =	simm.s32 $0x2;
	s16 =	simm.s32 $0x0;
	s10 =	simm.s32 $0x20000  }
0x4: {  	s15 =	simm.s32 $0x0;
	s2 =	sshll.u32 s0, $0x6;
	s1 =	sshll.u32 s1, $0xA  }
0x5: {  	s17 =	simm.s32 $0x0;
	s3 =	sshll.u32 s0, $0x1;
	s2 =	sor.u32 s2, s1  }
0x6: {  	s11 =	simm.s32 $0x0;
	s1 =	sand.u32 $0x2, s3;
	s2 =	sand.u32 $0x780, s2  }
0x7: {  	s14 =	simm.s32 $0x0;
	s3 =	ssub.s32 $0x4, s1;
	s5 =	ssub.s32 $0x1000, s2  }
0x8: {  	s13 =	smov.u32 s1;
	s6 =	sshrl.u32 s3, $0x2;
	s7 =	sand.u32 $0x780, s5  }
0x9: {  	s3 =	sshrl.u32 s3, $0x1;
	p0 =	sne.s32 s7, $0x0;
	s7 =	simm.s32 $0x1  }
0xa: {  	s9 =	sand.u32 $0x1, s3;
	s5 =	sshrl.u32 s5, $0xB;
	s7 =	simm.s32 @!p0 $0x0  }
.Ltmp0:
0xb: {  	s6 =	sadd.s32 s6, s9;
	s7 =	sadd.s32 s7, s5;
	(pc) =	sbr.rel .LBB1_1-.Ltmp0, $4  }
0xc: {  	s12 =	smov.u32 s2;
	s3 =	rddreg [dreg:$0x2];
	s7 =	smul.u32 s7, s6  }
0xd: {  	_ =	strace $0x8000004A;
	p0 =	por $0x0, $0x0;
	s5 =	simm.s32 $0x1  }
0xe: {  	[sflag:s5] =	ssyncpa.u1 $0x0;
	s6 =	sadd.s32 $0x1A00, s8;
	s7 =	sshll.u32 s7, $0x5  }
0xf: {  	s8 =	sadd.s32 $0x201A00, s8;
	[sflag:s31] =	ssyncpa.u1 $0x0;
	s9 =	sor.u32 $0x1, s7  }
.LBB1_7:
0x10: {  	s18 =	sadd.s32 $0x1, s11  }
0x11: {  	s15 =	sadd.s32 $0x800, s12;
	s19 =	smov.u32 s12;
	p2 =	sgt.s32 s18, $0x1F  }
0x12: {  	s19 =	smov.u32 @p2 s15  }
0x13: {  	s21 =	smov.u32 s13;
	s15 =	sadd.s32 $0x4, s13;
	p3 =	sgt.s32 s19, $0xFFF  }
0x14: {  	s21 =	smov.u32 @p3 s15  }
0x15: {  	s18 =	simm.s32 @p2 $0x0;
	p2 =	sgt.s32 s21, $0x3  }
0x16: {  	p1 =	slt.u32 s14, $0x2;
	s21 =	smov.u32 @p2 s1;
	p2 =	sne.s32 s14, s9  }
.Ltmp1:
0x17: {  	s20 =	simm.s32 @!p1 $0x2;
	(pc) =	sbr.rel @!p2 .LBB1_8-.Ltmp1, $4  }
0x18: {  	s16 =	smov.u32 s11;
	s17 =	smov.u32 s13;
	_ =	swait.ge @!p1 [sflag:s20], $0x4000  }
0x19: {  	p0 =	por !p0, !p0;
	[sflag:s20] =	ssyncset.done @!p1 $0x0;
	s11 =	smov.u32 s18  }
0x1a: {  	s19 =	smov.u32 @p3 s2;
	s15 =	smov.u32 s12;
	[sflag:s20] =	ssyncadd.s32 @!p1 $0xFFFFC000  }
0x1b: {  	s12 =	smov.u32 s19;
	s14 =	sadd.s32 $0x1, s14;
	s13 =	smov.u32 s21  }
.LBB1_1:
0x1c: {  	p1 =	sge.u32 s14, s7  }
0x1d: {  	s18 =	sxor.u32 @!p1 $0xFFFFFFFF, s14;
	s19 =	sshll.u32 @!p1 s13, $0x15  }
0x1e: {  	s20 =	sshll.u32 @!p1 s12, $0x9;
	s22 =	sshll.u32 @!p1 s11, $0x4;
	s23 =	simm.s32 @!p1 $0x40  }
0x1f: {  	s24 =	simm.s32 @!p1 $0x1000;
	s18 =	sshll.u32 @!p1 s18, $0xE;
	s21 =	sadd.s32 @!p1 s19, s20  }
0x20: {  	s22 =	sand.u32 @!p1 $0x1F0, s22;
	s19 =	sadd.s32 @!p1 s19, s8;
	s21 =	sadd.s32 @!p1 s6, s21  }
0x21: {  	s18 =	sand.u32 @!p1 $0x4000, s18;
	s19 =	sadd.s32 @!p1 s20, s19;
	s21 =	sadd.s32 @!p1 s22, s21  }
0x22: {  	[tilespmem:s18], [sflag:$0x1] =	stream.strided.gather @!p1 [hbm4b:s21+s23], $0x2000, s24, s23, $0x38;
	[tilespmem:$0x10100] =	vst v63  }
0x23: {  	s31 =	sadd.s32 $0xFFFFFFFF, s14;
	s19 =	sadd.s32 @!p1 s22, s19;
	s18 =	sor.u32 @!p1 $0x2000, s18  }
0x24: {  	[tilespmem:s18], [sflag:$0x1] =	stream.strided.gather @!p1 [hbm4b:s19+s23], $0x2000, s24, s23, $0x38;
	[tilespmem:$0x10100] =	vst v63  }
0x25: {  	p1 =	sge.u32 s31, s7  }
.Ltmp2:
0x26: {  	_ = 	snop;
	(pc) =	sbr.rel @p1 .LBB1_7-.Ltmp2, $1  }
0x27: {  	_ =	sdelay $0x3  }
0x28: {  	s18 =	simm.s32 $0x1;
	s20 =	sand.u32 $0x1, s14  }
0x29: {  	_ =	swait.ge [sflag:s5], $0x4000;
	s18 =	simm.s32 @!p0 $0x0;
	s20 =	smul.u32 $0x10200, s20  }
0x2a: {  	p2 =	por $0x1, $0x1;
	[sflag:s5] =	ssyncset.done $0x0;
	s19 =	smul.u32 $0x10200, s18  }
0x2b: {  	s21 =	sshll.u32 s18, $0x10;
	[sflag:s5] =	ssyncadd.s32 $0xFFFFC000;
	s30 =	sshrl.u32 s20, $0x2  }
0x2c: {  	s31 =	sshrl.u32 s21, $0x2;
	s21 =	simm.s32 $0x0;
	s19 =	sshrl.u32 s19, $0x2  }
0x2d: {  	s18 =	sor.u32 $0x8000, s30;
	s20 =	sadd.s32 $0x20, s31;
	s19 =	sor.u32 $0x8000, s19  }
.LBB1_3:
0x2e: {  	s22 =	sshll.u32 s21, $0xD  }
0x2f: {  	s22 =	sand.u32 $0x3FFFE000, s22  }
0x30: {  	s24 =	sadd.s32 s22, s20  }
0x31: {  	s31 =	smul.u32 $0x8100, s21;
	v3 =	vld [tilespmem:s24+$0x10]  }
0x32: {  	v1 =	vld [tilespmem:s24+$0xFFFFFFF0]  }
0x33: {  	s21 =	sshra.s32 s31, $0x2;
	v0 =	vld [tilespmem:s24+$0x0]  }
0x34: {  	s21 =	sadd.s32 s21, s19;
	v2 =	vld [tilespmem:s24+$0xFFFFFFE0]  }
0x35: {  	s22 =	sadd.s32 $0x0, s21  }
0x36: {  	p1 =	por p2, p2;
	s23 =	simm.s32 $0x4;
	s24 =	sadd.s32 $0x40, s24;
	[tilespmem:s22+$0x1830 ss:$0x81] =	vst.msk $0xffff, v3  }
.LBB1_4:
0x37: {  	v3 =	vld [tilespmem:s24+$0x10];
	p2 =	sne.s32 s23, $0x1FC;
	[tilespmem:s22+$0x810 ss:$0x81] =	vst.msk $0xffff, v1;
	s25 =	smov.u32 s23;
	s23 =	sadd.s32 $0x4, s23  }
.Ltmp3:
0x38: {  	v1 =	vld [tilespmem:s24+$0xFFFFFFF0];
	[tilespmem:s22+$0x1020 ss:$0x81] =	vst.msk $0xffff, v0;
	(pc) =	sbr.rel @p2 .LBB1_4-.Ltmp3, $4  }
0x39: {  	v0 =	vld [tilespmem:s24+$0x0];
	[tilespmem:s22+$0x0 ss:$0x81] =	vst.msk $0xffff, v2  }
0x3a: {  	s22 =	sshra.s32 s25, $0x2;
	v2 =	vld [tilespmem:s24+$0xFFFFFFE0]  }
0x3b: {  	s22 =	sadd.s32 s22, s21  }
0x3c: {  	s24 =	sadd.s32 $0x40, s24;
	[tilespmem:s22+$0x1830 ss:$0x81] =	vst.msk $0xffff, v3  }
.Ltmp4:
0x3d: {  	(pc) =	sbr.rel @p1 .LBB1_3-.Ltmp4, $4  }
0x3e: {  	_ = 	snop  }
0x3f: {  	[tilespmem:s22+$0x810 ss:$0x81] =	vst.msk $0xffff, v1  }
0x40: {  	[tilespmem:s22+$0x1020 ss:$0x81] =	vst.msk $0xffff, v0  }
0x41: {  	s21 =	simm.s32 $0x1;
	p2 =	por $0x0, $0x0;
	[tilespmem:s22+$0x0 ss:$0x81] =	vst.msk $0xffff, v2  }
0x42: {  	s19 =	sshll.u32 s16, $0xC;
	s20 =	sand.u32 $0x78, s15  }
0x43: {  	s21 =	sshll.u32 s15, $0x3;
	s30 =	sshll.u32 s16, $0x7;
	s17 =	sshll.u32 s17, $0x14  }
0x44: {  	s31 =	sand.u32 $0x7, s15;
	s19 =	sand.u32 $0x18000, s19;
	s22 =	sand.u32 $0x1FC00, s21  }
0x45: {  	s21 =	sand.u32 $0xC00, s21;
	s16 =	sand.u32 $0x380, s30;
	s19 =	sadd.s32 s22, s19  }
.Ltmp5:
0x46: {  	s20 =	sor.u32 s20, s21;
	s19 =	sshrl.u32 s19, $0x3;
	(pc) =	sbr.rel .LBB1_7-.Ltmp5, $4  }
0x47: {  	s17 =	sadd.s32 s4, s17;
	s16 =	sor.u32 s16, s20;
	s19 =	sand.u32 $0x3E00, s19  }
0x48: {  	s15 =	sshll.u32 s31, $0x12;
	s16 =	sshrl.u32 s16, $0x3;
	s17 =	sadd.s32 s19, s17  }
0x49: {  	s15 =	sor.u32 $0x80, s15;
	s16 =	sadd.s32 s16, s17  }
0x4a: {  	[hbm4b:s16+s15] =	stream.strided.scatter [tilespmem:s18], [sflag:$0x2], $0x4000, s10, s15, $0x20;
	[tilespmem:$0x10100] =	vst v63  }
.LBB1_8:
0x4b: {  	_ =	sfence.sel $0x180000  }
0x4c: {  	s1 =	simm.s32 $0x1;
	[bflag:$0x0] =	sbarrier.arrive $0xFFFF  }
0x4d: {  	s31 =	simm.s32 $0x2;
	[sflag:s1] =	ssyncpa.u1 $0x1  }
0x4e: {  	[sflag:s31] =	ssyncpa.u1 $0x1  }
0x4f: {  	p0 =	sne.s32 s0, $0x0;
	_ =	strace $0x9000004A  }
0x50: {  	s0 =	sadd.s32 @!p0 $0x100000, s3;
	[bflag:$0x2] =	sbarrier.arrive $0xFFFF  }
0x51: {  	[sflag:s0] =	ssyncadd.tile.s32 @!p0 $0x1;
	_ =	shalt  }
.Lfunc_end1:
_tile_overlayer_lowered:
.L_overlay_start_2:
0x52: {  	(tag) =	ssettag $0x2  }
0x53: {  	s0 =	rddreg [dreg:$0x0];
	s2 =	stileid.u32  }
0x54: {  	s1 =	rddreg [dreg:$0x1];
	p0 =	sne.s32 s2, $0x0  }
0x55: {  	s3 =	rddreg [dreg:$0x2];
	[bflag:$0x3] =	sbarrier.arrive $0xFFFF;
	s2 =	simm.s32 @!p0 $0x1C01  }
0x56: {  	[timem:s3], [sflag:s2] =	dma.local @!p0 [hbm:s0], s1  }
0x57: {  	s0 =	simm.s32 @!p0 $0x1  }
0x58: {  	_ =	swait.ge @!p0 [sflag:s0], s1  }
0x59: {  	s1 =	ssub.s32 @!p0 $0x0, s1;
	[sflag:s0] =	ssyncset.done @!p0 $0x0  }
0x5a: {  	[sflag:s0] =	ssyncadd.s32 @!p0 s1  }
0x5b: {  	[bflag:$0x3] =	sbarrier.arrive $0xFFFF  }
0x5c: {  	_ =	shalt  }

</sc_bundles>
